<compile_context>
chip_gen: v7x
topology: tpu7x:2x2x1
jax: 0.10.2.dev20260603
libtpu: 0.0.44.dev20260713+nightly
codegen_flags: <defaults>
</compile_context>

<pallas_src>
import jax
import jax.numpy as jnp
from jax import lax
from jax.experimental import pallas as pl
from jax.experimental.pallas import tpu as pltpu
from jax.experimental.pallas import tpu_sc as plsc

N = 10000
K = 5000
D = 128
NS = N + 520
KSCAN = 320
NCHUNK = 4
CH = KSCAN // NCHUNK
HALF = N // 2

NBLK = 50
BR = N // NBLK


def _sc_body(h_hbm, idxp_hbm, zblk_hbm, out_hbm,
             idx_v, dests_v, rows_v, sem):
    c = lax.axis_index("c")
    s = lax.axis_index("s")
    lanes = lax.iota(jnp.int32, 16)
    dumpvec = N + (c * 16 + s) * 16 + lanes

    kb = jnp.minimum(s * KSCAN, K - KSCAN)
    pltpu.sync_copy(idxp_hbm.at[pl.ds(kb, KSCAN)], idx_v.at[pl.ds(0, KSCAN)])

    @pl.when(s < 15)
    def _stage_tail():
        pltpu.sync_copy(
            idxp_hbm.at[pl.ds(kb + KSCAN, 16)], idx_v.at[pl.ds(KSCAN, 16)]
        )

    @pl.when(s == 15)
    def _sentinel_tail():
        idx_v[pl.ds(KSCAN, 16)] = jnp.full((16,), N, jnp.int32)

    zb = c * HALF + jnp.minimum(s * KSCAN, HALF - KSCAN)
    pltpu.sync_copy(zblk_hbm, rows_v)
    pltpu.sync_copy(rows_v, out_hbm.at[pl.ds(zb, KSCAN)])

    half_lo = c * HALF
    for chunk in range(NCHUNK):
        for gi in range(CH // 16):
            off = chunk * CH + gi * 16
            v = idx_v[pl.ds(off, 16)]
            vn = plsc.load_gather(idx_v, [off + 1 + lanes])
            vlo = v - half_lo
            keep = (v != vn) & (vlo >= 0) & (vlo < HALF)
            dests_v[chunk, pl.ds(gi * 16, 16)] = jnp.where(keep, v, dumpvec)

    pltpu.sync_copy(h_hbm.at[pl.ds(kb, KSCAN)], rows_v)

    plsc.subcore_barrier()

    copies = [
        pltpu.async_copy(
            rows_v.at[pl.ds(j * CH, CH)],
            out_hbm.at[dests_v.at[j]],
            sem,
        )
        for j in range(NCHUNK)
    ]
    for cp in copies:
        cp.wait()


_sc_unpool = pl.kernel(
    _sc_body,
    out_type=jax.ShapeDtypeStruct((NS, D), jnp.float32),
    mesh=plsc.VectorSubcoreMesh(core_axis_name="c", subcore_axis_name="s"),
    compiler_params=pltpu.CompilerParams(needs_layout_passes=False),
    scratch_types=[
        pltpu.VMEM((KSCAN + 16,), jnp.int32),
        pltpu.VMEM((NCHUNK, CH), jnp.int32),
        pltpu.VMEM((KSCAN, D), jnp.float32),
        pltpu.SemaphoreType.DMA,
    ],
)


def _copy_body(g_ref, g_out_ref):
    g_out_ref[...] = g_ref[...]


def kernel(g, h, pre_h, idx):
    idx32 = idx.astype(jnp.int32)
    zblk = jnp.zeros((KSCAN, D), jnp.float32)
    scratch = _sc_unpool(h, idx32, zblk)
    new_h = lax.slice(scratch, (0, 0), (N, D))
    g_out = pl.pallas_call(
        _copy_body,
        grid=(NBLK,),
        out_shape=jax.ShapeDtypeStruct((N, N), jnp.float32),
        in_specs=[pl.BlockSpec((BR, N), lambda i: (i, 0))],
        out_specs=pl.BlockSpec((BR, N), lambda i: (i, 0)),
    )(g)
    return (g_out, new_h)

# --- scband reference (transcript-rebuilt; emitter-appended) ---
"""Pipeline reference for scband-unpool-9139690406277 (READ-ONLY COPY).

The authoritative reference and input builder live on the scoring server;
editing this copy changes nothing except your own understanding.
"""

import jax, jax.numpy as jnp
import numpy as np

N = 10000
K = 5000
D = 128

def setup_inputs(seed: int = 0) -> dict:
    key = jax.random.key(seed)
    k1, k2, k3, k4 = jax.random.split(key, 4)
    g = jax.random.uniform(k1, (N, N), dtype=jnp.float32)
    h = jax.random.normal(k2, (K, D), dtype=jnp.float32)
    pre_h = jax.random.normal(k3, (N, D), dtype=jnp.float32)
    idx = jnp.sort(jax.random.randint(k4, (K,), 0, N, dtype=jnp.int64))
    return {"g": g, "h": h, "pre_h": pre_h, "idx": idx}

def reference(g, h, pre_h, idx):
    # new_h = zeros([N, d]); new_h[idx] = h  (scatter overwrite)
    new_h = jnp.zeros((g.shape[0], h.shape[1]), dtype=h.dtype).at[idx].set(h)
    # In the original torch code, idx_prime = [i for i in idx if i not in range(N)] is
    # always empty (all indices are valid node ids < N), so the neighbor-averaging loop
    # is dead code and contributes nothing; the faithful result is just the scatter.
    return (g, new_h)

if __name__ == "__main__":
    import jax
    _d = setup_inputs()
    print(jax.jit(kernel)(*tuple(_d.values())))

</pallas_src>

<mosaic_0001>
#map = affine_map<(d0, d1) -> (0, 0)>
#map1 = affine_map<(d0, d1) -> (0)>
module attributes {stable_mosaic.version = 14 : i64} {
  func.func @_sc_body(%arg0: i32, %arg1: i32, %arg2: memref<5000x128xf32, #tpu.memory_space<hbm>>, %arg3: memref<5000xi32, #tpu.memory_space<hbm>>, %arg4: memref<320x128xf32, #tpu.memory_space<hbm>>, %arg5: memref<10520x128xf32, #tpu.memory_space<hbm>>, %arg6: memref<336xi32, #tpu.memory_space<vmem>>, %arg7: memref<4x80xi32, #tpu.memory_space<vmem>>, %arg8: memref<320x128xf32, #tpu.memory_space<vmem>>, %arg9: memref<!tpu.dma_semaphore, #tpu.memory_space<semaphore_mem>>) attributes {dimension_semantics = [#tpu.dimension_semantics<core_parallel>, #tpu.dimension_semantics<subcore_parallel>], iteration_bounds = array<i64: 2, 16>, scalar_prefetch = 0 : i64, scratch_operands = 4 : i64, tpu.core_type = #tpu.core_type<sc_vector_subcore>, window_params = [{transform_indices = #map}, {transform_indices = #map1}, {transform_indices = #map}, {transform_indices = #map}]} {
    %iota3A = tpu.iota {dimensions = array<i32: 0>} : vector<16xi32>
    %mul3A = arith.constant 16 : i32
    %mul3A_0 = arith.muli %arg0, %mul3A : i32
    %add3A = arith.addi %mul3A_0, %arg1 : i32
    %mul3A_1 = arith.constant 16 : i32
    %mul3A_2 = arith.muli %add3A, %mul3A_1 : i32
    %add3A_3 = arith.constant 10000 : i32
    %add3A_4 = arith.addi %add3A_3, %mul3A_2 : i32
    %add3A_5 = vector.broadcast %add3A_4 : i32 to vector<16xi32>
    %add3A_6 = arith.addi %add3A_5, %iota3A : vector<16xi32>
    %mul3A_7 = arith.constant 320 : i32
    %mul3A_8 = arith.muli %arg1, %mul3A_7 : i32
    %min3A = arith.constant 4680 : i32
    %min3A_9 = arith.minsi %mul3A_8, %min3A : i32
    "tpu.region"() ({
      %run_scoped3A = tpu.sem_alloc : memref<!tpu.dma_semaphore, #tpu.memory_space<semaphore_mem>>
      %dma_start3A_535 = arith.constant 0 : i32
      %dma_start3A_536 = tpu.memref_slice %arg6[%dma_start3A_535] : memref<336xi32, #tpu.memory_space<vmem>> -> memref<320xi32, #tpu.memory_space<vmem>>
      %dma_start3A_537 = tpu.memref_slice %arg3[%min3A_9] : memref<5000xi32, #tpu.memory_space<hbm>> -> memref<320xi32, #tpu.memory_space<hbm>>
      %dma_start3A_538 = arith.constant 0 : i32
      %dma_start3A_539 = tpu.memref_slice %arg6[%dma_start3A_538] : memref<336xi32, #tpu.memory_space<vmem>> -> memref<320xi32, #tpu.memory_space<vmem>>
      %dma_start3A_540 = tpu.memref_slice %arg3[%min3A_9] : memref<5000xi32, #tpu.memory_space<hbm>> -> memref<320xi32, #tpu.memory_space<hbm>>
      tpu.enqueue_dma source(%dma_start3A_540 : memref<320xi32, #tpu.memory_space<hbm>>) target(%dma_start3A_539 : memref<320xi32, #tpu.memory_space<vmem>>) target_semaphore(%run_scoped3A : memref<!tpu.dma_semaphore, #tpu.memory_space<semaphore_mem>>)
      %dma_wait3A_541 = arith.constant 0 : i32
      %dma_wait3A_542 = tpu.memref_slice %arg6[%dma_wait3A_541] : memref<336xi32, #tpu.memory_space<vmem>> -> memref<320xi32, #tpu.memory_space<vmem>>
      %dma_wait3A_543 = tpu.memref_slice %arg3[%min3A_9] : memref<5000xi32, #tpu.memory_space<hbm>> -> memref<320xi32, #tpu.memory_space<hbm>>
      %dma_wait3A_544 = arith.constant 0 : i32
      %dma_wait3A_545 = tpu.memref_slice %arg6[%dma_wait3A_544] : memref<336xi32, #tpu.memory_space<vmem>> -> memref<320xi32, #tpu.memory_space<vmem>>
      %dma_wait3A_546 = tpu.memref_slice %arg3[%min3A_9] : memref<5000xi32, #tpu.memory_space<hbm>> -> memref<320xi32, #tpu.memory_space<hbm>>
      tpu.wait_dma2 semaphore(%run_scoped3A : memref<!tpu.dma_semaphore, #tpu.memory_space<semaphore_mem>>) src(%dma_wait3A_546 : memref<320xi32, #tpu.memory_space<hbm>>) dst(%dma_wait3A_545 : memref<320xi32, #tpu.memory_space<vmem>>)
      tpu.yield
    }) : () -> ()
    %lt3A = arith.constant 15 : i32
    %lt3A_10 = arith.cmpi slt, %arg1, %lt3A : i32
    %convert_element_type3A = arith.extui %lt3A_10 : i1 to i32
    %cond3A = arith.constant 0 : i32
    %cond3A_11 = arith.cmpi ne, %convert_element_type3A, %cond3A : i32
    scf.if %cond3A_11 {
      %add3A_535 = arith.constant 320 : i32
      %add3A_536 = arith.addi %min3A_9, %add3A_535 : i32
      "tpu.region"() ({
        %run_scoped3A = tpu.sem_alloc : memref<!tpu.dma_semaphore, #tpu.memory_space<semaphore_mem>>
        %dma_start3A_537 = arith.constant 320 : i32
        %dma_start3A_538 = tpu.memref_slice %arg6[%dma_start3A_537] : memref<336xi32, #tpu.memory_space<vmem>> -> memref<16xi32, #tpu.memory_space<vmem>>
        %dma_start3A_539 = tpu.memref_slice %arg3[%add3A_536] : memref<5000xi32, #tpu.memory_space<hbm>> -> memref<16xi32, #tpu.memory_space<hbm>>
        %dma_start3A_540 = arith.constant 320 : i32
        %dma_start3A_541 = tpu.memref_slice %arg6[%dma_start3A_540] : memref<336xi32, #tpu.memory_space<vmem>> -> memref<16xi32, #tpu.memory_space<vmem>>
        %dma_start3A_542 = tpu.memref_slice %arg3[%add3A_536] : memref<5000xi32, #tpu.memory_space<hbm>> -> memref<16xi32, #tpu.memory_space<hbm>>
        tpu.enqueue_dma source(%dma_start3A_542 : memref<16xi32, #tpu.memory_space<hbm>>) target(%dma_start3A_541 : memref<16xi32, #tpu.memory_space<vmem>>) target_semaphore(%run_scoped3A : memref<!tpu.dma_semaphore, #tpu.memory_space<semaphore_mem>>)
        %dma_wait3A_543 = arith.constant 320 : i32
        %dma_wait3A_544 = tpu.memref_slice %arg6[%dma_wait3A_543] : memref<336xi32, #tpu.memory_space<vmem>> -> memref<16xi32, #tpu.memory_space<vmem>>
        %dma_wait3A_545 = tpu.memref_slice %arg3[%add3A_536] : memref<5000xi32, #tpu.memory_space<hbm>> -> memref<16xi32, #tpu.memory_space<hbm>>
        %dma_wait3A_546 = arith.constant 320 : i32
        %dma_wait3A_547 = tpu.memref_slice %arg6[%dma_wait3A_546] : memref<336xi32, #tpu.memory_space<vmem>> -> memref<16xi32, #tpu.memory_space<vmem>>
        %dma_wait3A_548 = tpu.memref_slice %arg3[%add3A_536] : memref<5000xi32, #tpu.memory_space<hbm>> -> memref<16xi32, #tpu.memory_space<hbm>>
        tpu.wait_dma2 semaphore(%run_scoped3A : memref<!tpu.dma_semaphore, #tpu.memory_space<semaphore_mem>>) src(%dma_wait3A_548 : memref<16xi32, #tpu.memory_space<hbm>>) dst(%dma_wait3A_547 : memref<16xi32, #tpu.memory_space<vmem>>)
        tpu.yield
      }) : () -> ()
    } else {
    }
    %eq3A = arith.constant 15 : i32
    %eq3A_12 = arith.cmpi eq, %arg1, %eq3A : i32
    %convert_element_type3A_13 = arith.extui %eq3A_12 : i1 to i32
    %cond3A_14 = arith.constant 0 : i32
    %cond3A_15 = arith.cmpi ne, %convert_element_type3A_13, %cond3A_14 : i32
    scf.if %cond3A_15 {
      %broadcast_in_dim3A = arith.constant 10000 : i32
      %broadcast_in_dim3A_535 = vector.broadcast %broadcast_in_dim3A : i32 to vector<16xi32>
      %swap3A_536 = arith.constant 320 : index
      %swap3A_537 = tpu.vector_load %arg6[%swap3A_536] {strides = array<i32>} : memref<336xi32, #tpu.memory_space<vmem>>, vector<16xi32>,
      tpu.vector_store %arg6[%swap3A_536], %broadcast_in_dim3A_535 {strides = array<i32>} : memref<336xi32, #tpu.memory_space<vmem>>, vector<16xi32>,
    } else {
    }
    %mul3A_16 = arith.constant 5000 : i32
    %mul3A_17 = arith.muli %arg0, %mul3A_16 : i32
    %mul3A_18 = arith.constant 320 : i32
    %mul3A_19 = arith.muli %arg1, %mul3A_18 : i32
    %min3A_20 = arith.constant 4680 : i32
    %min3A_21 = arith.minsi %mul3A_19, %min3A_20 : i32
    %add3A_22 = arith.addi %mul3A_17, %min3A_21 : i32
    "tpu.region"() ({
      %run_scoped3A = tpu.sem_alloc : memref<!tpu.dma_semaphore, #tpu.memory_space<semaphore_mem>>
      tpu.enqueue_dma source(%arg4 : memref<320x128xf32, #tpu.memory_space<hbm>>) target(%arg8 : memref<320x128xf32, #tpu.memory_space<vmem>>) target_semaphore(%run_scoped3A : memref<!tpu.dma_semaphore, #tpu.memory_space<semaphore_mem>>)
      tpu.wait_dma2 semaphore(%run_scoped3A : memref<!tpu.dma_semaphore, #tpu.memory_space<semaphore_mem>>) src(%arg4 : memref<320x128xf32, #tpu.memory_space<hbm>>) dst(%arg8 : memref<320x128xf32, #tpu.memory_space<vmem>>)
      tpu.yield
    }) : () -> ()
    "tpu.region"() ({
      %run_scoped3A = tpu.sem_alloc : memref<!tpu.dma_semaphore, #tpu.memory_space<semaphore_mem>>
      %dma_start3A_535 = arith.constant 0 : i32
      %dma_start3A_536 = tpu.memref_slice %arg5[%add3A_22, %dma_start3A_535] : memref<10520x128xf32, #tpu.memory_space<hbm>> -> memref<320x128xf32, #tpu.memory_space<hbm>>
      %dma_start3A_537 = arith.constant 0 : i32
      %dma_start3A_538 = tpu.memref_slice %arg5[%add3A_22, %dma_start3A_537] : memref<10520x128xf32, #tpu.memory_space<hbm>> -> memref<320x128xf32, #tpu.memory_space<hbm>>
      tpu.enqueue_dma source(%arg8 : memref<320x128xf32, #tpu.memory_space<vmem>>) target(%dma_start3A_538 : memref<320x128xf32, #tpu.memory_space<hbm>>) target_semaphore(%run_scoped3A : memref<!tpu.dma_semaphore, #tpu.memory_space<semaphore_mem>>)
      %dma_wait3A_539 = arith.constant 0 : i32
      %dma_wait3A_540 = tpu.memref_slice %arg5[%add3A_22, %dma_wait3A_539] : memref<10520x128xf32, #tpu.memory_space<hbm>> -> memref<320x128xf32, #tpu.memory_space<hbm>>
      %dma_wait3A_541 = arith.constant 0 : i32
      %dma_wait3A_542 = tpu.memref_slice %arg5[%add3A_22, %dma_wait3A_541] : memref<10520x128xf32, #tpu.memory_space<hbm>> -> memref<320x128xf32, #tpu.memory_space<hbm>>
      tpu.wait_dma2 semaphore(%run_scoped3A : memref<!tpu.dma_semaphore, #tpu.memory_space<semaphore_mem>>) src(%arg8 : memref<320x128xf32, #tpu.memory_space<vmem>>) dst(%dma_wait3A_542 : memref<320x128xf32, #tpu.memory_space<hbm>>)
      tpu.yield
    }) : () -> ()
    %mul3A_23 = arith.constant 5000 : i32
    %mul3A_24 = arith.muli %arg0, %mul3A_23 : i32
    %get3A = arith.constant 0 : index
    %get3A_25 = tpu.vector_load %arg6[%get3A] {strides = array<i32>} : memref<336xi32, #tpu.memory_space<vmem>>, vector<16xi32>,
    %add3A_26 = arith.constant 1 : i32
    %add3A_27 = vector.broadcast %add3A_26 : i32 to vector<16xi32>
    %add3A_28 = arith.addi %add3A_27, %iota3A : vector<16xi32>
    %gather3A = tpu.vector_load_idx %arg6[%add3A_28] : memref<336xi32, #tpu.memory_space<vmem>>[vector<16xi32>], vector<16xi32>,
    %sub3A = vector.broadcast %mul3A_24 : i32 to vector<16xi32>
    %sub3A_29 = arith.subi %get3A_25, %sub3A : vector<16xi32>
    %ne3A = arith.cmpi ne, %get3A_25, %gather3A : vector<16xi32>
    %ge3A = arith.constant 0 : i32
    %ge3A_30 = vector.broadcast %ge3A : i32 to vector<16xi32>
    %ge3A_31 = arith.cmpi sge, %sub3A_29, %ge3A_30 : vector<16xi32>
    %and3A = arith.andi %ne3A, %ge3A_31 : vector<16xi1>
    %lt3A_32 = arith.constant 5000 : i32
    %lt3A_33 = vector.broadcast %lt3A_32 : i32 to vector<16xi32>
    %lt3A_34 = arith.cmpi slt, %sub3A_29, %lt3A_33 : vector<16xi32>
    %and3A_35 = arith.andi %and3A, %lt3A_34 : vector<16xi1>
    %select_n3A = arith.select %and3A_35, %get3A_25, %add3A_6 : vector<16xi1>, vector<16xi32>
    %swap3A = arith.constant 0 : i32
    %swap3A_36 = arith.index_cast %swap3A : i32 to index
    %swap3A_37 = arith.constant 0 : index
    %swap3A_38 = tpu.vector_load %arg7[%swap3A_36, %swap3A_37] {strides = array<i32>} : memref<4x80xi32, #tpu.memory_space<vmem>>, vector<16xi32>,
    tpu.vector_store %arg7[%swap3A_36, %swap3A_37], %select_n3A {strides = array<i32>} : memref<4x80xi32, #tpu.memory_space<vmem>>, vector<16xi32>,
    %get3A_39 = arith.constant 16 : index
    %get3A_40 = tpu.vector_load %arg6[%get3A_39] {strides = array<i32>} : memref<336xi32, #tpu.memory_space<vmem>>, vector<16xi32>,
    %add3A_41 = arith.constant 17 : i32
    %add3A_42 = vector.broadcast %add3A_41 : i32 to vector<16xi32>
    %add3A_43 = arith.addi %add3A_42, %iota3A : vector<16xi32>
    %gather3A_44 = tpu.vector_load_idx %arg6[%add3A_43] : memref<336xi32, #tpu.memory_space<vmem>>[vector<16xi32>], vector<16xi32>,
    %sub3A_45 = vector.broadcast %mul3A_24 : i32 to vector<16xi32>
    %sub3A_46 = arith.subi %get3A_40, %sub3A_45 : vector<16xi32>
    %ne3A_47 = arith.cmpi ne, %get3A_40, %gather3A_44 : vector<16xi32>
    %ge3A_48 = arith.constant 0 : i32
    %ge3A_49 = vector.broadcast %ge3A_48 : i32 to vector<16xi32>
    %ge3A_50 = arith.cmpi sge, %sub3A_46, %ge3A_49 : vector<16xi32>
    %and3A_51 = arith.andi %ne3A_47, %ge3A_50 : vector<16xi1>
    %lt3A_52 = arith.constant 5000 : i32
    %lt3A_53 = vector.broadcast %lt3A_52 : i32 to vector<16xi32>
    %lt3A_54 = arith.cmpi slt, %sub3A_46, %lt3A_53 : vector<16xi32>
    %and3A_55 = arith.andi %and3A_51, %lt3A_54 : vector<16xi1>
    %select_n3A_56 = arith.select %and3A_55, %get3A_40, %add3A_6 : vector<16xi1>, vector<16xi32>
    %swap3A_57 = arith.constant 0 : i32
    %swap3A_58 = arith.index_cast %swap3A_57 : i32 to index
    %swap3A_59 = arith.constant 16 : index
    %swap3A_60 = tpu.vector_load %arg7[%swap3A_58, %swap3A_59] {strides = array<i32>} : memref<4x80xi32, #tpu.memory_space<vmem>>, vector<16xi32>,
    tpu.vector_store %arg7[%swap3A_58, %swap3A_59], %select_n3A_56 {strides = array<i32>} : memref<4x80xi32, #tpu.memory_space<vmem>>, vector<16xi32>,
    %get3A_61 = arith.constant 32 : index
    %get3A_62 = tpu.vector_load %arg6[%get3A_61] {strides = array<i32>} : memref<336xi32, #tpu.memory_space<vmem>>, vector<16xi32>,
    %add3A_63 = arith.constant 33 : i32
    %add3A_64 = vector.broadcast %add3A_63 : i32 to vector<16xi32>
    %add3A_65 = arith.addi %add3A_64, %iota3A : vector<16xi32>
    %gather3A_66 = tpu.vector_load_idx %arg6[%add3A_65] : memref<336xi32, #tpu.memory_space<vmem>>[vector<16xi32>], vector<16xi32>,
    %sub3A_67 = vector.broadcast %mul3A_24 : i32 to vector<16xi32>
    %sub3A_68 = arith.subi %get3A_62, %sub3A_67 : vector<16xi32>
    %ne3A_69 = arith.cmpi ne, %get3A_62, %gather3A_66 : vector<16xi32>
    %ge3A_70 = arith.constant 0 : i32
    %ge3A_71 = vector.broadcast %ge3A_70 : i32 to vector<16xi32>
    %ge3A_72 = arith.cmpi sge, %sub3A_68, %ge3A_71 : vector<16xi32>
    %and3A_73 = arith.andi %ne3A_69, %ge3A_72 : vector<16xi1>
    %lt3A_74 = arith.constant 5000 : i32
    %lt3A_75 = vector.broadcast %lt3A_74 : i32 to vector<16xi32>
    %lt3A_76 = arith.cmpi slt, %sub3A_68, %lt3A_75 : vector<16xi32>
    %and3A_77 = arith.andi %and3A_73, %lt3A_76 : vector<16xi1>
    %select_n3A_78 = arith.select %and3A_77, %get3A_62, %add3A_6 : vector<16xi1>, vector<16xi32>
    %swap3A_79 = arith.constant 0 : i32
    %swap3A_80 = arith.index_cast %swap3A_79 : i32 to index
    %swap3A_81 = arith.constant 32 : index
    %swap3A_82 = tpu.vector_load %arg7[%swap3A_80, %swap3A_81] {strides = array<i32>} : memref<4x80xi32, #tpu.memory_space<vmem>>, vector<16xi32>,
    tpu.vector_store %arg7[%swap3A_80, %swap3A_81], %select_n3A_78 {strides = array<i32>} : memref<4x80xi32, #tpu.memory_space<vmem>>, vector<16xi32>,
    %get3A_83 = arith.constant 48 : index
    %get3A_84 = tpu.vector_load %arg6[%get3A_83] {strides = array<i32>} : memref<336xi32, #tpu.memory_space<vmem>>, vector<16xi32>,
    %add3A_85 = arith.constant 49 : i32
    %add3A_86 = vector.broadcast %add3A_85 : i32 to vector<16xi32>
    %add3A_87 = arith.addi %add3A_86, %iota3A : vector<16xi32>
    %gather3A_88 = tpu.vector_load_idx %arg6[%add3A_87] : memref<336xi32, #tpu.memory_space<vmem>>[vector<16xi32>], vector<16xi32>,
    %sub3A_89 = vector.broadcast %mul3A_24 : i32 to vector<16xi32>
    %sub3A_90 = arith.subi %get3A_84, %sub3A_89 : vector<16xi32>
    %ne3A_91 = arith.cmpi ne, %get3A_84, %gather3A_88 : vector<16xi32>
    %ge3A_92 = arith.constant 0 : i32
    %ge3A_93 = vector.broadcast %ge3A_92 : i32 to vector<16xi32>
    %ge3A_94 = arith.cmpi sge, %sub3A_90, %ge3A_93 : vector<16xi32>
    %and3A_95 = arith.andi %ne3A_91, %ge3A_94 : vector<16xi1>
    %lt3A_96 = arith.constant 5000 : i32
    %lt3A_97 = vector.broadcast %lt3A_96 : i32 to vector<16xi32>
    %lt3A_98 = arith.cmpi slt, %sub3A_90, %lt3A_97 : vector<16xi32>
    %and3A_99 = arith.andi %and3A_95, %lt3A_98 : vector<16xi1>
    %select_n3A_100 = arith.select %and3A_99, %get3A_84, %add3A_6 : vector<16xi1>, vector<16xi32>
    %swap3A_101 = arith.constant 0 : i32
    %swap3A_102 = arith.index_cast %swap3A_101 : i32 to index
    %swap3A_103 = arith.constant 48 : index
    %swap3A_104 = tpu.vector_load %arg7[%swap3A_102, %swap3A_103] {strides = array<i32>} : memref<4x80xi32, #tpu.memory_space<vmem>>, vector<16xi32>,
    tpu.vector_store %arg7[%swap3A_102, %swap3A_103], %select_n3A_100 {strides = array<i32>} : memref<4x80xi32, #tpu.memory_space<vmem>>, vector<16xi32>,
    %get3A_105 = arith.constant 64 : index
    %get3A_106 = tpu.vector_load %arg6[%get3A_105] {strides = array<i32>} : memref<336xi32, #tpu.memory_space<vmem>>, vector<16xi32>,
    %add3A_107 = arith.constant 65 : i32
    %add3A_108 = vector.broadcast %add3A_107 : i32 to vector<16xi32>
    %add3A_109 = arith.addi %add3A_108, %iota3A : vector<16xi32>
    %gather3A_110 = tpu.vector_load_idx %arg6[%add3A_109] : memref<336xi32, #tpu.memory_space<vmem>>[vector<16xi32>], vector<16xi32>,
    %sub3A_111 = vector.broadcast %mul3A_24 : i32 to vector<16xi32>
    %sub3A_112 = arith.subi %get3A_106, %sub3A_111 : vector<16xi32>
    %ne3A_113 = arith.cmpi ne, %get3A_106, %gather3A_110 : vector<16xi32>
    %ge3A_114 = arith.constant 0 : i32
    %ge3A_115 = vector.broadcast %ge3A_114 : i32 to vector<16xi32>
    %ge3A_116 = arith.cmpi sge, %sub3A_112, %ge3A_115 : vector<16xi32>
    %and3A_117 = arith.andi %ne3A_113, %ge3A_116 : vector<16xi1>
    %lt3A_118 = arith.constant 5000 : i32
    %lt3A_119 = vector.broadcast %lt3A_118 : i32 to vector<16xi32>
    %lt3A_120 = arith.cmpi slt, %sub3A_112, %lt3A_119 : vector<16xi32>
    %and3A_121 = arith.andi %and3A_117, %lt3A_120 : vector<16xi1>
    %select_n3A_122 = arith.select %and3A_121, %get3A_106, %add3A_6 : vector<16xi1>, vector<16xi32>
    %swap3A_123 = arith.constant 0 : i32
    %swap3A_124 = arith.index_cast %swap3A_123 : i32 to index
    %swap3A_125 = arith.constant 64 : index
    %swap3A_126 = tpu.vector_load %arg7[%swap3A_124, %swap3A_125] {strides = array<i32>} : memref<4x80xi32, #tpu.memory_space<vmem>>, vector<16xi32>,
    tpu.vector_store %arg7[%swap3A_124, %swap3A_125], %select_n3A_122 {strides = array<i32>} : memref<4x80xi32, #tpu.memory_space<vmem>>, vector<16xi32>,
    %get3A_127 = arith.constant 80 : index
    %get3A_128 = tpu.vector_load %arg6[%get3A_127] {strides = array<i32>} : memref<336xi32, #tpu.memory_space<vmem>>, vector<16xi32>,
    %add3A_129 = arith.constant 81 : i32
    %add3A_130 = vector.broadcast %add3A_129 : i32 to vector<16xi32>
    %add3A_131 = arith.addi %add3A_130, %iota3A : vector<16xi32>
    %gather3A_132 = tpu.vector_load_idx %arg6[%add3A_131] : memref<336xi32, #tpu.memory_space<vmem>>[vector<16xi32>], vector<16xi32>,
    %sub3A_133 = vector.broadcast %mul3A_24 : i32 to vector<16xi32>
    %sub3A_134 = arith.subi %get3A_128, %sub3A_133 : vector<16xi32>
    %ne3A_135 = arith.cmpi ne, %get3A_128, %gather3A_132 : vector<16xi32>
    %ge3A_136 = arith.constant 0 : i32
    %ge3A_137 = vector.broadcast %ge3A_136 : i32 to vector<16xi32>
    %ge3A_138 = arith.cmpi sge, %sub3A_134, %ge3A_137 : vector<16xi32>
    %and3A_139 = arith.andi %ne3A_135, %ge3A_138 : vector<16xi1>
    %lt3A_140 = arith.constant 5000 : i32
    %lt3A_141 = vector.broadcast %lt3A_140 : i32 to vector<16xi32>
    %lt3A_142 = arith.cmpi slt, %sub3A_134, %lt3A_141 : vector<16xi32>
    %and3A_143 = arith.andi %and3A_139, %lt3A_142 : vector<16xi1>
    %select_n3A_144 = arith.select %and3A_143, %get3A_128, %add3A_6 : vector<16xi1>, vector<16xi32>
    %swap3A_145 = arith.constant 1 : i32
    %swap3A_146 = arith.index_cast %swap3A_145 : i32 to index
    %swap3A_147 = arith.constant 0 : index
    %swap3A_148 = tpu.vector_load %arg7[%swap3A_146, %swap3A_147] {strides = array<i32>} : memref<4x80xi32, #tpu.memory_space<vmem>>, vector<16xi32>,
    tpu.vector_store %arg7[%swap3A_146, %swap3A_147], %select_n3A_144 {strides = array<i32>} : memref<4x80xi32, #tpu.memory_space<vmem>>, vector<16xi32>,
    %get3A_149 = arith.constant 96 : index
    %get3A_150 = tpu.vector_load %arg6[%get3A_149] {strides = array<i32>} : memref<336xi32, #tpu.memory_space<vmem>>, vector<16xi32>,
    %add3A_151 = arith.constant 97 : i32
    %add3A_152 = vector.broadcast %add3A_151 : i32 to vector<16xi32>
    %add3A_153 = arith.addi %add3A_152, %iota3A : vector<16xi32>
    %gather3A_154 = tpu.vector_load_idx %arg6[%add3A_153] : memref<336xi32, #tpu.memory_space<vmem>>[vector<16xi32>], vector<16xi32>,
    %sub3A_155 = vector.broadcast %mul3A_24 : i32 to vector<16xi32>
    %sub3A_156 = arith.subi %get3A_150, %sub3A_155 : vector<16xi32>
    %ne3A_157 = arith.cmpi ne, %get3A_150, %gather3A_154 : vector<16xi32>
    %ge3A_158 = arith.constant 0 : i32
    %ge3A_159 = vector.broadcast %ge3A_158 : i32 to vector<16xi32>
    %ge3A_160 = arith.cmpi sge, %sub3A_156, %ge3A_159 : vector<16xi32>
    %and3A_161 = arith.andi %ne3A_157, %ge3A_160 : vector<16xi1>
    %lt3A_162 = arith.constant 5000 : i32
    %lt3A_163 = vector.broadcast %lt3A_162 : i32 to vector<16xi32>
    %lt3A_164 = arith.cmpi slt, %sub3A_156, %lt3A_163 : vector<16xi32>
    %and3A_165 = arith.andi %and3A_161, %lt3A_164 : vector<16xi1>
    %select_n3A_166 = arith.select %and3A_165, %get3A_150, %add3A_6 : vector<16xi1>, vector<16xi32>
    %swap3A_167 = arith.constant 1 : i32
    %swap3A_168 = arith.index_cast %swap3A_167 : i32 to index
    %swap3A_169 = arith.constant 16 : index
    %swap3A_170 = tpu.vector_load %arg7[%swap3A_168, %swap3A_169] {strides = array<i32>} : memref<4x80xi32, #tpu.memory_space<vmem>>, vector<16xi32>,
    tpu.vector_store %arg7[%swap3A_168, %swap3A_169], %select_n3A_166 {strides = array<i32>} : memref<4x80xi32, #tpu.memory_space<vmem>>, vector<16xi32>,
    %get3A_171 = arith.constant 112 : index
    %get3A_172 = tpu.vector_load %arg6[%get3A_171] {strides = array<i32>} : memref<336xi32, #tpu.memory_space<vmem>>, vector<16xi32>,
    %add3A_173 = arith.constant 113 : i32
    %add3A_174 = vector.broadcast %add3A_173 : i32 to vector<16xi32>
    %add3A_175 = arith.addi %add3A_174, %iota3A : vector<16xi32>
    %gather3A_176 = tpu.vector_load_idx %arg6[%add3A_175] : memref<336xi32, #tpu.memory_space<vmem>>[vector<16xi32>], vector<16xi32>,
    %sub3A_177 = vector.broadcast %mul3A_24 : i32 to vector<16xi32>
    %sub3A_178 = arith.subi %get3A_172, %sub3A_177 : vector<16xi32>
    %ne3A_179 = arith.cmpi ne, %get3A_172, %gather3A_176 : vector<16xi32>
    %ge3A_180 = arith.constant 0 : i32
    %ge3A_181 = vector.broadcast %ge3A_180 : i32 to vector<16xi32>
    %ge3A_182 = arith.cmpi sge, %sub3A_178, %ge3A_181 : vector<16xi32>
    %and3A_183 = arith.andi %ne3A_179, %ge3A_182 : vector<16xi1>
    %lt3A_184 = arith.constant 5000 : i32
    %lt3A_185 = vector.broadcast %lt3A_184 : i32 to vector<16xi32>
    %lt3A_186 = arith.cmpi slt, %sub3A_178, %lt3A_185 : vector<16xi32>
    %and3A_187 = arith.andi %and3A_183, %lt3A_186 : vector<16xi1>
    %select_n3A_188 = arith.select %and3A_187, %get3A_172, %add3A_6 : vector<16xi1>, vector<16xi32>
    %swap3A_189 = arith.constant 1 : i32
    %swap3A_190 = arith.index_cast %swap3A_189 : i32 to index
    %swap3A_191 = arith.constant 32 : index
    %swap3A_192 = tpu.vector_load %arg7[%swap3A_190, %swap3A_191] {strides = array<i32>} : memref<4x80xi32, #tpu.memory_space<vmem>>, vector<16xi32>,
    tpu.vector_store %arg7[%swap3A_190, %swap3A_191], %select_n3A_188 {strides = array<i32>} : memref<4x80xi32, #tpu.memory_space<vmem>>, vector<16xi32>,
    %get3A_193 = arith.constant 128 : index
    %get3A_194 = tpu.vector_load %arg6[%get3A_193] {strides = array<i32>} : memref<336xi32, #tpu.memory_space<vmem>>, vector<16xi32>,
    %add3A_195 = arith.constant 129 : i32
    %add3A_196 = vector.broadcast %add3A_195 : i32 to vector<16xi32>
    %add3A_197 = arith.addi %add3A_196, %iota3A : vector<16xi32>
    %gather3A_198 = tpu.vector_load_idx %arg6[%add3A_197] : memref<336xi32, #tpu.memory_space<vmem>>[vector<16xi32>], vector<16xi32>,
    %sub3A_199 = vector.broadcast %mul3A_24 : i32 to vector<16xi32>
    %sub3A_200 = arith.subi %get3A_194, %sub3A_199 : vector<16xi32>
    %ne3A_201 = arith.cmpi ne, %get3A_194, %gather3A_198 : vector<16xi32>
    %ge3A_202 = arith.constant 0 : i32
    %ge3A_203 = vector.broadcast %ge3A_202 : i32 to vector<16xi32>
    %ge3A_204 = arith.cmpi sge, %sub3A_200, %ge3A_203 : vector<16xi32>
    %and3A_205 = arith.andi %ne3A_201, %ge3A_204 : vector<16xi1>
    %lt3A_206 = arith.constant 5000 : i32
    %lt3A_207 = vector.broadcast %lt3A_206 : i32 to vector<16xi32>
    %lt3A_208 = arith.cmpi slt, %sub3A_200, %lt3A_207 : vector<16xi32>
    %and3A_209 = arith.andi %and3A_205, %lt3A_208 : vector<16xi1>
    %select_n3A_210 = arith.select %and3A_209, %get3A_194, %add3A_6 : vector<16xi1>, vector<16xi32>
    %swap3A_211 = arith.constant 1 : i32
    %swap3A_212 = arith.index_cast %swap3A_211 : i32 to index
    %swap3A_213 = arith.constant 48 : index
    %swap3A_214 = tpu.vector_load %arg7[%swap3A_212, %swap3A_213] {strides = array<i32>} : memref<4x80xi32, #tpu.memory_space<vmem>>, vector<16xi32>,
    tpu.vector_store %arg7[%swap3A_212, %swap3A_213], %select_n3A_210 {strides = array<i32>} : memref<4x80xi32, #tpu.memory_space<vmem>>, vector<16xi32>,
    %get3A_215 = arith.constant 144 : index
    %get3A_216 = tpu.vector_load %arg6[%get3A_215] {strides = array<i32>} : memref<336xi32, #tpu.memory_space<vmem>>, vector<16xi32>,
    %add3A_217 = arith.constant 145 : i32
    %add3A_218 = vector.broadcast %add3A_217 : i32 to vector<16xi32>
    %add3A_219 = arith.addi %add3A_218, %iota3A : vector<16xi32>
    %gather3A_220 = tpu.vector_load_idx %arg6[%add3A_219] : memref<336xi32, #tpu.memory_space<vmem>>[vector<16xi32>], vector<16xi32>,
    %sub3A_221 = vector.broadcast %mul3A_24 : i32 to vector<16xi32>
    %sub3A_222 = arith.subi %get3A_216, %sub3A_221 : vector<16xi32>
    %ne3A_223 = arith.cmpi ne, %get3A_216, %gather3A_220 : vector<16xi32>
    %ge3A_224 = arith.constant 0 : i32
    %ge3A_225 = vector.broadcast %ge3A_224 : i32 to vector<16xi32>
    %ge3A_226 = arith.cmpi sge, %sub3A_222, %ge3A_225 : vector<16xi32>
    %and3A_227 = arith.andi %ne3A_223, %ge3A_226 : vector<16xi1>
    %lt3A_228 = arith.constant 5000 : i32
    %lt3A_229 = vector.broadcast %lt3A_228 : i32 to vector<16xi32>
    %lt3A_230 = arith.cmpi slt, %sub3A_222, %lt3A_229 : vector<16xi32>
    %and3A_231 = arith.andi %and3A_227, %lt3A_230 : vector<16xi1>
    %select_n3A_232 = arith.select %and3A_231, %get3A_216, %add3A_6 : vector<16xi1>, vector<16xi32>
    %swap3A_233 = arith.constant 1 : i32
    %swap3A_234 = arith.index_cast %swap3A_233 : i32 to index
    %swap3A_235 = arith.constant 64 : index
    %swap3A_236 = tpu.vector_load %arg7[%swap3A_234, %swap3A_235] {strides = array<i32>} : memref<4x80xi32, #tpu.memory_space<vmem>>, vector<16xi32>,
    tpu.vector_store %arg7[%swap3A_234, %swap3A_235], %select_n3A_232 {strides = array<i32>} : memref<4x80xi32, #tpu.memory_space<vmem>>, vector<16xi32>,
    %get3A_237 = arith.constant 160 : index
    %get3A_238 = tpu.vector_load %arg6[%get3A_237] {strides = array<i32>} : memref<336xi32, #tpu.memory_space<vmem>>, vector<16xi32>,
    %add3A_239 = arith.constant 161 : i32
    %add3A_240 = vector.broadcast %add3A_239 : i32 to vector<16xi32>
    %add3A_241 = arith.addi %add3A_240, %iota3A : vector<16xi32>
    %gather3A_242 = tpu.vector_load_idx %arg6[%add3A_241] : memref<336xi32, #tpu.memory_space<vmem>>[vector<16xi32>], vector<16xi32>,
    %sub3A_243 = vector.broadcast %mul3A_24 : i32 to vector<16xi32>
    %sub3A_244 = arith.subi %get3A_238, %sub3A_243 : vector<16xi32>
    %ne3A_245 = arith.cmpi ne, %get3A_238, %gather3A_242 : vector<16xi32>
    %ge3A_246 = arith.constant 0 : i32
    %ge3A_247 = vector.broadcast %ge3A_246 : i32 to vector<16xi32>
    %ge3A_248 = arith.cmpi sge, %sub3A_244, %ge3A_247 : vector<16xi32>
    %and3A_249 = arith.andi %ne3A_245, %ge3A_248 : vector<16xi1>
    %lt3A_250 = arith.constant 5000 : i32
    %lt3A_251 = vector.broadcast %lt3A_250 : i32 to vector<16xi32>
    %lt3A_252 = arith.cmpi slt, %sub3A_244, %lt3A_251 : vector<16xi32>
    %and3A_253 = arith.andi %and3A_249, %lt3A_252 : vector<16xi1>
    %select_n3A_254 = arith.select %and3A_253, %get3A_238, %add3A_6 : vector<16xi1>, vector<16xi32>
    %swap3A_255 = arith.constant 2 : i32
    %swap3A_256 = arith.index_cast %swap3A_255 : i32 to index
    %swap3A_257 = arith.constant 0 : index
    %swap3A_258 = tpu.vector_load %arg7[%swap3A_256, %swap3A_257] {strides = array<i32>} : memref<4x80xi32, #tpu.memory_space<vmem>>, vector<16xi32>,
    tpu.vector_store %arg7[%swap3A_256, %swap3A_257], %select_n3A_254 {strides = array<i32>} : memref<4x80xi32, #tpu.memory_space<vmem>>, vector<16xi32>,
    %get3A_259 = arith.constant 176 : index
    %get3A_260 = tpu.vector_load %arg6[%get3A_259] {strides = array<i32>} : memref<336xi32, #tpu.memory_space<vmem>>, vector<16xi32>,
    %add3A_261 = arith.constant 177 : i32
    %add3A_262 = vector.broadcast %add3A_261 : i32 to vector<16xi32>
    %add3A_263 = arith.addi %add3A_262, %iota3A : vector<16xi32>
    %gather3A_264 = tpu.vector_load_idx %arg6[%add3A_263] : memref<336xi32, #tpu.memory_space<vmem>>[vector<16xi32>], vector<16xi32>,
    %sub3A_265 = vector.broadcast %mul3A_24 : i32 to vector<16xi32>
    %sub3A_266 = arith.subi %get3A_260, %sub3A_265 : vector<16xi32>
    %ne3A_267 = arith.cmpi ne, %get3A_260, %gather3A_264 : vector<16xi32>
    %ge3A_268 = arith.constant 0 : i32
    %ge3A_269 = vector.broadcast %ge3A_268 : i32 to vector<16xi32>
    %ge3A_270 = arith.cmpi sge, %sub3A_266, %ge3A_269 : vector<16xi32>
    %and3A_271 = arith.andi %ne3A_267, %ge3A_270 : vector<16xi1>
    %lt3A_272 = arith.constant 5000 : i32
    %lt3A_273 = vector.broadcast %lt3A_272 : i32 to vector<16xi32>
    %lt3A_274 = arith.cmpi slt, %sub3A_266, %lt3A_273 : vector<16xi32>
    %and3A_275 = arith.andi %and3A_271, %lt3A_274 : vector<16xi1>
    %select_n3A_276 = arith.select %and3A_275, %get3A_260, %add3A_6 : vector<16xi1>, vector<16xi32>
    %swap3A_277 = arith.constant 2 : i32
    %swap3A_278 = arith.index_cast %swap3A_277 : i32 to index
    %swap3A_279 = arith.constant 16 : index
    %swap3A_280 = tpu.vector_load %arg7[%swap3A_278, %swap3A_279] {strides = array<i32>} : memref<4x80xi32, #tpu.memory_space<vmem>>, vector<16xi32>,
    tpu.vector_store %arg7[%swap3A_278, %swap3A_279], %select_n3A_276 {strides = array<i32>} : memref<4x80xi32, #tpu.memory_space<vmem>>, vector<16xi32>,
    %get3A_281 = arith.constant 192 : index
    %get3A_282 = tpu.vector_load %arg6[%get3A_281] {strides = array<i32>} : memref<336xi32, #tpu.memory_space<vmem>>, vector<16xi32>,
    %add3A_283 = arith.constant 193 : i32
    %add3A_284 = vector.broadcast %add3A_283 : i32 to vector<16xi32>
    %add3A_285 = arith.addi %add3A_284, %iota3A : vector<16xi32>
    %gather3A_286 = tpu.vector_load_idx %arg6[%add3A_285] : memref<336xi32, #tpu.memory_space<vmem>>[vector<16xi32>], vector<16xi32>,
    %sub3A_287 = vector.broadcast %mul3A_24 : i32 to vector<16xi32>
    %sub3A_288 = arith.subi %get3A_282, %sub3A_287 : vector<16xi32>
    %ne3A_289 = arith.cmpi ne, %get3A_282, %gather3A_286 : vector<16xi32>
    %ge3A_290 = arith.constant 0 : i32
    %ge3A_291 = vector.broadcast %ge3A_290 : i32 to vector<16xi32>
    %ge3A_292 = arith.cmpi sge, %sub3A_288, %ge3A_291 : vector<16xi32>
    %and3A_293 = arith.andi %ne3A_289, %ge3A_292 : vector<16xi1>
    %lt3A_294 = arith.constant 5000 : i32
    %lt3A_295 = vector.broadcast %lt3A_294 : i32 to vector<16xi32>
    %lt3A_296 = arith.cmpi slt, %sub3A_288, %lt3A_295 : vector<16xi32>
    %and3A_297 = arith.andi %and3A_293, %lt3A_296 : vector<16xi1>
    %select_n3A_298 = arith.select %and3A_297, %get3A_282, %add3A_6 : vector<16xi1>, vector<16xi32>
    %swap3A_299 = arith.constant 2 : i32
    %swap3A_300 = arith.index_cast %swap3A_299 : i32 to index
    %swap3A_301 = arith.constant 32 : index
    %swap3A_302 = tpu.vector_load %arg7[%swap3A_300, %swap3A_301] {strides = array<i32>} : memref<4x80xi32, #tpu.memory_space<vmem>>, vector<16xi32>,
    tpu.vector_store %arg7[%swap3A_300, %swap3A_301], %select_n3A_298 {strides = array<i32>} : memref<4x80xi32, #tpu.memory_space<vmem>>, vector<16xi32>,
    %get3A_303 = arith.constant 208 : index
    %get3A_304 = tpu.vector_load %arg6[%get3A_303] {strides = array<i32>} : memref<336xi32, #tpu.memory_space<vmem>>, vector<16xi32>,
    %add3A_305 = arith.constant 209 : i32
    %add3A_306 = vector.broadcast %add3A_305 : i32 to vector<16xi32>
    %add3A_307 = arith.addi %add3A_306, %iota3A : vector<16xi32>
    %gather3A_308 = tpu.vector_load_idx %arg6[%add3A_307] : memref<336xi32, #tpu.memory_space<vmem>>[vector<16xi32>], vector<16xi32>,
    %sub3A_309 = vector.broadcast %mul3A_24 : i32 to vector<16xi32>
    %sub3A_310 = arith.subi %get3A_304, %sub3A_309 : vector<16xi32>
    %ne3A_311 = arith.cmpi ne, %get3A_304, %gather3A_308 : vector<16xi32>
    %ge3A_312 = arith.constant 0 : i32
    %ge3A_313 = vector.broadcast %ge3A_312 : i32 to vector<16xi32>
    %ge3A_314 = arith.cmpi sge, %sub3A_310, %ge3A_313 : vector<16xi32>
    %and3A_315 = arith.andi %ne3A_311, %ge3A_314 : vector<16xi1>
    %lt3A_316 = arith.constant 5000 : i32
    %lt3A_317 = vector.broadcast %lt3A_316 : i32 to vector<16xi32>
    %lt3A_318 = arith.cmpi slt, %sub3A_310, %lt3A_317 : vector<16xi32>
    %and3A_319 = arith.andi %and3A_315, %lt3A_318 : vector<16xi1>
    %select_n3A_320 = arith.select %and3A_319, %get3A_304, %add3A_6 : vector<16xi1>, vector<16xi32>
    %swap3A_321 = arith.constant 2 : i32
    %swap3A_322 = arith.index_cast %swap3A_321 : i32 to index
    %swap3A_323 = arith.constant 48 : index
    %swap3A_324 = tpu.vector_load %arg7[%swap3A_322, %swap3A_323] {strides = array<i32>} : memref<4x80xi32, #tpu.memory_space<vmem>>, vector<16xi32>,
    tpu.vector_store %arg7[%swap3A_322, %swap3A_323], %select_n3A_320 {strides = array<i32>} : memref<4x80xi32, #tpu.memory_space<vmem>>, vector<16xi32>,
    %get3A_325 = arith.constant 224 : index
    %get3A_326 = tpu.vector_load %arg6[%get3A_325] {strides = array<i32>} : memref<336xi32, #tpu.memory_space<vmem>>, vector<16xi32>,
    %add3A_327 = arith.constant 225 : i32
    %add3A_328 = vector.broadcast %add3A_327 : i32 to vector<16xi32>
    %add3A_329 = arith.addi %add3A_328, %iota3A : vector<16xi32>
    %gather3A_330 = tpu.vector_load_idx %arg6[%add3A_329] : memref<336xi32, #tpu.memory_space<vmem>>[vector<16xi32>], vector<16xi32>,
    %sub3A_331 = vector.broadcast %mul3A_24 : i32 to vector<16xi32>
    %sub3A_332 = arith.subi %get3A_326, %sub3A_331 : vector<16xi32>
    %ne3A_333 = arith.cmpi ne, %get3A_326, %gather3A_330 : vector<16xi32>
    %ge3A_334 = arith.constant 0 : i32
    %ge3A_335 = vector.broadcast %ge3A_334 : i32 to vector<16xi32>
    %ge3A_336 = arith.cmpi sge, %sub3A_332, %ge3A_335 : vector<16xi32>
    %and3A_337 = arith.andi %ne3A_333, %ge3A_336 : vector<16xi1>
    %lt3A_338 = arith.constant 5000 : i32
    %lt3A_339 = vector.broadcast %lt3A_338 : i32 to vector<16xi32>
    %lt3A_340 = arith.cmpi slt, %sub3A_332, %lt3A_339 : vector<16xi32>
    %and3A_341 = arith.andi %and3A_337, %lt3A_340 : vector<16xi1>
    %select_n3A_342 = arith.select %and3A_341, %get3A_326, %add3A_6 : vector<16xi1>, vector<16xi32>
    %swap3A_343 = arith.constant 2 : i32
    %swap3A_344 = arith.index_cast %swap3A_343 : i32 to index
    %swap3A_345 = arith.constant 64 : index
    %swap3A_346 = tpu.vector_load %arg7[%swap3A_344, %swap3A_345] {strides = array<i32>} : memref<4x80xi32, #tpu.memory_space<vmem>>, vector<16xi32>,
    tpu.vector_store %arg7[%swap3A_344, %swap3A_345], %select_n3A_342 {strides = array<i32>} : memref<4x80xi32, #tpu.memory_space<vmem>>, vector<16xi32>,
    %get3A_347 = arith.constant 240 : index
    %get3A_348 = tpu.vector_load %arg6[%get3A_347] {strides = array<i32>} : memref<336xi32, #tpu.memory_space<vmem>>, vector<16xi32>,
    %add3A_349 = arith.constant 241 : i32
    %add3A_350 = vector.broadcast %add3A_349 : i32 to vector<16xi32>
    %add3A_351 = arith.addi %add3A_350, %iota3A : vector<16xi32>
    %gather3A_352 = tpu.vector_load_idx %arg6[%add3A_351] : memref<336xi32, #tpu.memory_space<vmem>>[vector<16xi32>], vector<16xi32>,
    %sub3A_353 = vector.broadcast %mul3A_24 : i32 to vector<16xi32>
    %sub3A_354 = arith.subi %get3A_348, %sub3A_353 : vector<16xi32>
    %ne3A_355 = arith.cmpi ne, %get3A_348, %gather3A_352 : vector<16xi32>
    %ge3A_356 = arith.constant 0 : i32
    %ge3A_357 = vector.broadcast %ge3A_356 : i32 to vector<16xi32>
    %ge3A_358 = arith.cmpi sge, %sub3A_354, %ge3A_357 : vector<16xi32>
    %and3A_359 = arith.andi %ne3A_355, %ge3A_358 : vector<16xi1>
    %lt3A_360 = arith.constant 5000 : i32
    %lt3A_361 = vector.broadcast %lt3A_360 : i32 to vector<16xi32>
    %lt3A_362 = arith.cmpi slt, %sub3A_354, %lt3A_361 : vector<16xi32>
    %and3A_363 = arith.andi %and3A_359, %lt3A_362 : vector<16xi1>
    %select_n3A_364 = arith.select %and3A_363, %get3A_348, %add3A_6 : vector<16xi1>, vector<16xi32>
    %swap3A_365 = arith.constant 3 : i32
    %swap3A_366 = arith.index_cast %swap3A_365 : i32 to index
    %swap3A_367 = arith.constant 0 : index
    %swap3A_368 = tpu.vector_load %arg7[%swap3A_366, %swap3A_367] {strides = array<i32>} : memref<4x80xi32, #tpu.memory_space<vmem>>, vector<16xi32>,
    tpu.vector_store %arg7[%swap3A_366, %swap3A_367], %select_n3A_364 {strides = array<i32>} : memref<4x80xi32, #tpu.memory_space<vmem>>, vector<16xi32>,
    %get3A_369 = arith.constant 256 : index
    %get3A_370 = tpu.vector_load %arg6[%get3A_369] {strides = array<i32>} : memref<336xi32, #tpu.memory_space<vmem>>, vector<16xi32>,
    %add3A_371 = arith.constant 257 : i32
    %add3A_372 = vector.broadcast %add3A_371 : i32 to vector<16xi32>
    %add3A_373 = arith.addi %add3A_372, %iota3A : vector<16xi32>
    %gather3A_374 = tpu.vector_load_idx %arg6[%add3A_373] : memref<336xi32, #tpu.memory_space<vmem>>[vector<16xi32>], vector<16xi32>,
    %sub3A_375 = vector.broadcast %mul3A_24 : i32 to vector<16xi32>
    %sub3A_376 = arith.subi %get3A_370, %sub3A_375 : vector<16xi32>
    %ne3A_377 = arith.cmpi ne, %get3A_370, %gather3A_374 : vector<16xi32>
    %ge3A_378 = arith.constant 0 : i32
    %ge3A_379 = vector.broadcast %ge3A_378 : i32 to vector<16xi32>
    %ge3A_380 = arith.cmpi sge, %sub3A_376, %ge3A_379 : vector<16xi32>
    %and3A_381 = arith.andi %ne3A_377, %ge3A_380 : vector<16xi1>
    %lt3A_382 = arith.constant 5000 : i32
    %lt3A_383 = vector.broadcast %lt3A_382 : i32 to vector<16xi32>
    %lt3A_384 = arith.cmpi slt, %sub3A_376, %lt3A_383 : vector<16xi32>
    %and3A_385 = arith.andi %and3A_381, %lt3A_384 : vector<16xi1>
    %select_n3A_386 = arith.select %and3A_385, %get3A_370, %add3A_6 : vector<16xi1>, vector<16xi32>
    %swap3A_387 = arith.constant 3 : i32
    %swap3A_388 = arith.index_cast %swap3A_387 : i32 to index
    %swap3A_389 = arith.constant 16 : index
    %swap3A_390 = tpu.vector_load %arg7[%swap3A_388, %swap3A_389] {strides = array<i32>} : memref<4x80xi32, #tpu.memory_space<vmem>>, vector<16xi32>,
    tpu.vector_store %arg7[%swap3A_388, %swap3A_389], %select_n3A_386 {strides = array<i32>} : memref<4x80xi32, #tpu.memory_space<vmem>>, vector<16xi32>,
    %get3A_391 = arith.constant 272 : index
    %get3A_392 = tpu.vector_load %arg6[%get3A_391] {strides = array<i32>} : memref<336xi32, #tpu.memory_space<vmem>>, vector<16xi32>,
    %add3A_393 = arith.constant 273 : i32
    %add3A_394 = vector.broadcast %add3A_393 : i32 to vector<16xi32>
    %add3A_395 = arith.addi %add3A_394, %iota3A : vector<16xi32>
    %gather3A_396 = tpu.vector_load_idx %arg6[%add3A_395] : memref<336xi32, #tpu.memory_space<vmem>>[vector<16xi32>], vector<16xi32>,
    %sub3A_397 = vector.broadcast %mul3A_24 : i32 to vector<16xi32>
    %sub3A_398 = arith.subi %get3A_392, %sub3A_397 : vector<16xi32>
    %ne3A_399 = arith.cmpi ne, %get3A_392, %gather3A_396 : vector<16xi32>
    %ge3A_400 = arith.constant 0 : i32
    %ge3A_401 = vector.broadcast %ge3A_400 : i32 to vector<16xi32>
    %ge3A_402 = arith.cmpi sge, %sub3A_398, %ge3A_401 : vector<16xi32>
    %and3A_403 = arith.andi %ne3A_399, %ge3A_402 : vector<16xi1>
    %lt3A_404 = arith.constant 5000 : i32
    %lt3A_405 = vector.broadcast %lt3A_404 : i32 to vector<16xi32>
    %lt3A_406 = arith.cmpi slt, %sub3A_398, %lt3A_405 : vector<16xi32>
    %and3A_407 = arith.andi %and3A_403, %lt3A_406 : vector<16xi1>
    %select_n3A_408 = arith.select %and3A_407, %get3A_392, %add3A_6 : vector<16xi1>, vector<16xi32>
    %swap3A_409 = arith.constant 3 : i32
    %swap3A_410 = arith.index_cast %swap3A_409 : i32 to index
    %swap3A_411 = arith.constant 32 : index
    %swap3A_412 = tpu.vector_load %arg7[%swap3A_410, %swap3A_411] {strides = array<i32>} : memref<4x80xi32, #tpu.memory_space<vmem>>, vector<16xi32>,
    tpu.vector_store %arg7[%swap3A_410, %swap3A_411], %select_n3A_408 {strides = array<i32>} : memref<4x80xi32, #tpu.memory_space<vmem>>, vector<16xi32>,
    %get3A_413 = arith.constant 288 : index
    %get3A_414 = tpu.vector_load %arg6[%get3A_413] {strides = array<i32>} : memref<336xi32, #tpu.memory_space<vmem>>, vector<16xi32>,
    %add3A_415 = arith.constant 289 : i32
    %add3A_416 = vector.broadcast %add3A_415 : i32 to vector<16xi32>
    %add3A_417 = arith.addi %add3A_416, %iota3A : vector<16xi32>
    %gather3A_418 = tpu.vector_load_idx %arg6[%add3A_417] : memref<336xi32, #tpu.memory_space<vmem>>[vector<16xi32>], vector<16xi32>,
    %sub3A_419 = vector.broadcast %mul3A_24 : i32 to vector<16xi32>
    %sub3A_420 = arith.subi %get3A_414, %sub3A_419 : vector<16xi32>
    %ne3A_421 = arith.cmpi ne, %get3A_414, %gather3A_418 : vector<16xi32>
    %ge3A_422 = arith.constant 0 : i32
    %ge3A_423 = vector.broadcast %ge3A_422 : i32 to vector<16xi32>
    %ge3A_424 = arith.cmpi sge, %sub3A_420, %ge3A_423 : vector<16xi32>
    %and3A_425 = arith.andi %ne3A_421, %ge3A_424 : vector<16xi1>
    %lt3A_426 = arith.constant 5000 : i32
    %lt3A_427 = vector.broadcast %lt3A_426 : i32 to vector<16xi32>
    %lt3A_428 = arith.cmpi slt, %sub3A_420, %lt3A_427 : vector<16xi32>
    %and3A_429 = arith.andi %and3A_425, %lt3A_428 : vector<16xi1>
    %select_n3A_430 = arith.select %and3A_429, %get3A_414, %add3A_6 : vector<16xi1>, vector<16xi32>
    %swap3A_431 = arith.constant 3 : i32
    %swap3A_432 = arith.index_cast %swap3A_431 : i32 to index
    %swap3A_433 = arith.constant 48 : index
    %swap3A_434 = tpu.vector_load %arg7[%swap3A_432, %swap3A_433] {strides = array<i32>} : memref<4x80xi32, #tpu.memory_space<vmem>>, vector<16xi32>,
    tpu.vector_store %arg7[%swap3A_432, %swap3A_433], %select_n3A_430 {strides = array<i32>} : memref<4x80xi32, #tpu.memory_space<vmem>>, vector<16xi32>,
    %get3A_435 = arith.constant 304 : index
    %get3A_436 = tpu.vector_load %arg6[%get3A_435] {strides = array<i32>} : memref<336xi32, #tpu.memory_space<vmem>>, vector<16xi32>,
    %add3A_437 = arith.constant 305 : i32
    %add3A_438 = vector.broadcast %add3A_437 : i32 to vector<16xi32>
    %add3A_439 = arith.addi %add3A_438, %iota3A : vector<16xi32>
    %gather3A_440 = tpu.vector_load_idx %arg6[%add3A_439] : memref<336xi32, #tpu.memory_space<vmem>>[vector<16xi32>], vector<16xi32>,
    %sub3A_441 = vector.broadcast %mul3A_24 : i32 to vector<16xi32>
    %sub3A_442 = arith.subi %get3A_436, %sub3A_441 : vector<16xi32>
    %ne3A_443 = arith.cmpi ne, %get3A_436, %gather3A_440 : vector<16xi32>
    %ge3A_444 = arith.constant 0 : i32
    %ge3A_445 = vector.broadcast %ge3A_444 : i32 to vector<16xi32>
    %ge3A_446 = arith.cmpi sge, %sub3A_442, %ge3A_445 : vector<16xi32>
    %and3A_447 = arith.andi %ne3A_443, %ge3A_446 : vector<16xi1>
    %lt3A_448 = arith.constant 5000 : i32
    %lt3A_449 = vector.broadcast %lt3A_448 : i32 to vector<16xi32>
    %lt3A_450 = arith.cmpi slt, %sub3A_442, %lt3A_449 : vector<16xi32>
    %and3A_451 = arith.andi %and3A_447, %lt3A_450 : vector<16xi1>
    %select_n3A_452 = arith.select %and3A_451, %get3A_436, %add3A_6 : vector<16xi1>, vector<16xi32>
    %swap3A_453 = arith.constant 3 : i32
    %swap3A_454 = arith.index_cast %swap3A_453 : i32 to index
    %swap3A_455 = arith.constant 64 : index
    %swap3A_456 = tpu.vector_load %arg7[%swap3A_454, %swap3A_455] {strides = array<i32>} : memref<4x80xi32, #tpu.memory_space<vmem>>, vector<16xi32>,
    tpu.vector_store %arg7[%swap3A_454, %swap3A_455], %select_n3A_452 {strides = array<i32>} : memref<4x80xi32, #tpu.memory_space<vmem>>, vector<16xi32>,
    "tpu.region"() ({
      %run_scoped3A = tpu.sem_alloc : memref<!tpu.dma_semaphore, #tpu.memory_space<semaphore_mem>>
      %dma_start3A_535 = arith.constant 0 : i32
      %dma_start3A_536 = tpu.memref_slice %arg2[%min3A_9, %dma_start3A_535] : memref<5000x128xf32, #tpu.memory_space<hbm>> -> memref<320x128xf32, #tpu.memory_space<hbm>>
      %dma_start3A_537 = arith.constant 0 : i32
      %dma_start3A_538 = tpu.memref_slice %arg2[%min3A_9, %dma_start3A_537] : memref<5000x128xf32, #tpu.memory_space<hbm>> -> memref<320x128xf32, #tpu.memory_space<hbm>>
      tpu.enqueue_dma source(%dma_start3A_538 : memref<320x128xf32, #tpu.memory_space<hbm>>) target(%arg8 : memref<320x128xf32, #tpu.memory_space<vmem>>) target_semaphore(%run_scoped3A : memref<!tpu.dma_semaphore, #tpu.memory_space<semaphore_mem>>)
      %dma_wait3A_539 = arith.constant 0 : i32
      %dma_wait3A_540 = tpu.memref_slice %arg2[%min3A_9, %dma_wait3A_539] : memref<5000x128xf32, #tpu.memory_space<hbm>> -> memref<320x128xf32, #tpu.memory_space<hbm>>
      %dma_wait3A_541 = arith.constant 0 : i32
      %dma_wait3A_542 = tpu.memref_slice %arg2[%min3A_9, %dma_wait3A_541] : memref<5000x128xf32, #tpu.memory_space<hbm>> -> memref<320x128xf32, #tpu.memory_space<hbm>>
      tpu.wait_dma2 semaphore(%run_scoped3A : memref<!tpu.dma_semaphore, #tpu.memory_space<semaphore_mem>>) src(%dma_wait3A_542 : memref<320x128xf32, #tpu.memory_space<hbm>>) dst(%arg8 : memref<320x128xf32, #tpu.memory_space<vmem>>)
      tpu.yield
    }) : () -> ()
    %barrier3A = arith.constant 0 : index
    tpu.barrier barrier_id(%barrier3A)
    %dma_start3A = arith.constant 0 : i32
    %dma_start3A_457 = arith.constant 0 : i32
    %dma_start3A_458 = arith.constant 0 : i32
    %dma_start3A_459 = tpu.memref_slice %arg8[%dma_start3A_457, %dma_start3A_458] : memref<320x128xf32, #tpu.memory_space<vmem>> -> memref<80x128xf32, #tpu.memory_space<vmem>>
    %dma_start3A_460 = arith.constant 0 : i32
    %dma_start3A_461 = tpu.memref_slice %arg7[%dma_start3A, %dma_start3A_460] : memref<4x80xi32, #tpu.memory_space<vmem>> -> memref<1x80xi32, #tpu.memory_space<vmem>>
    %dma_start3A_462 = tpu.memref_squeeze %dma_start3A_461 : memref<1x80xi32, #tpu.memory_space<vmem>> -> memref<80xi32, #tpu.memory_space<vmem>>
    %dma_start3A_463 = arith.constant 0 : i32
    %dma_start3A_464 = arith.constant 0 : i32
    %dma_start3A_465 = tpu.memref_slice %arg5[%dma_start3A_463, %dma_start3A_464] : memref<10520x128xf32, #tpu.memory_space<hbm>> -> memref<10520x128xf32, #tpu.memory_space<hbm>>
    tpu.enqueue_indirect_dma source(%dma_start3A_459 : memref<80x128xf32, #tpu.memory_space<vmem>>) target(%dma_start3A_465 : memref<10520x128xf32, #tpu.memory_space<hbm>>) offsets(%dma_start3A_462 : memref<80xi32, #tpu.memory_space<vmem>>) semaphore(%arg9 : memref<!tpu.dma_semaphore, #tpu.memory_space<semaphore_mem>>)
    %dma_start3A_466 = arith.constant 1 : i32
    %dma_start3A_467 = arith.constant 80 : i32
    %dma_start3A_468 = arith.constant 0 : i32
    %dma_start3A_469 = tpu.memref_slice %arg8[%dma_start3A_467, %dma_start3A_468] : memref<320x128xf32, #tpu.memory_space<vmem>> -> memref<80x128xf32, #tpu.memory_space<vmem>>
    %dma_start3A_470 = arith.constant 0 : i32
    %dma_start3A_471 = tpu.memref_slice %arg7[%dma_start3A_466, %dma_start3A_470] : memref<4x80xi32, #tpu.memory_space<vmem>> -> memref<1x80xi32, #tpu.memory_space<vmem>>
    %dma_start3A_472 = tpu.memref_squeeze %dma_start3A_471 : memref<1x80xi32, #tpu.memory_space<vmem>> -> memref<80xi32, #tpu.memory_space<vmem>>
    %dma_start3A_473 = arith.constant 0 : i32
    %dma_start3A_474 = arith.constant 0 : i32
    %dma_start3A_475 = tpu.memref_slice %arg5[%dma_start3A_473, %dma_start3A_474] : memref<10520x128xf32, #tpu.memory_space<hbm>> -> memref<10520x128xf32, #tpu.memory_space<hbm>>
    tpu.enqueue_indirect_dma source(%dma_start3A_469 : memref<80x128xf32, #tpu.memory_space<vmem>>) target(%dma_start3A_475 : memref<10520x128xf32, #tpu.memory_space<hbm>>) offsets(%dma_start3A_472 : memref<80xi32, #tpu.memory_space<vmem>>) semaphore(%arg9 : memref<!tpu.dma_semaphore, #tpu.memory_space<semaphore_mem>>)
    %dma_start3A_476 = arith.constant 2 : i32
    %dma_start3A_477 = arith.constant 160 : i32
    %dma_start3A_478 = arith.constant 0 : i32
    %dma_start3A_479 = tpu.memref_slice %arg8[%dma_start3A_477, %dma_start3A_478] : memref<320x128xf32, #tpu.memory_space<vmem>> -> memref<80x128xf32, #tpu.memory_space<vmem>>
    %dma_start3A_480 = arith.constant 0 : i32
    %dma_start3A_481 = tpu.memref_slice %arg7[%dma_start3A_476, %dma_start3A_480] : memref<4x80xi32, #tpu.memory_space<vmem>> -> memref<1x80xi32, #tpu.memory_space<vmem>>
    %dma_start3A_482 = tpu.memref_squeeze %dma_start3A_481 : memref<1x80xi32, #tpu.memory_space<vmem>> -> memref<80xi32, #tpu.memory_space<vmem>>
    %dma_start3A_483 = arith.constant 0 : i32
    %dma_start3A_484 = arith.constant 0 : i32
    %dma_start3A_485 = tpu.memref_slice %arg5[%dma_start3A_483, %dma_start3A_484] : memref<10520x128xf32, #tpu.memory_space<hbm>> -> memref<10520x128xf32, #tpu.memory_space<hbm>>
    tpu.enqueue_indirect_dma source(%dma_start3A_479 : memref<80x128xf32, #tpu.memory_space<vmem>>) target(%dma_start3A_485 : memref<10520x128xf32, #tpu.memory_space<hbm>>) offsets(%dma_start3A_482 : memref<80xi32, #tpu.memory_space<vmem>>) semaphore(%arg9 : memref<!tpu.dma_semaphore, #tpu.memory_space<semaphore_mem>>)
    %dma_start3A_486 = arith.constant 3 : i32
    %dma_start3A_487 = arith.constant 240 : i32
    %dma_start3A_488 = arith.constant 0 : i32
    %dma_start3A_489 = tpu.memref_slice %arg8[%dma_start3A_487, %dma_start3A_488] : memref<320x128xf32, #tpu.memory_space<vmem>> -> memref<80x128xf32, #tpu.memory_space<vmem>>
    %dma_start3A_490 = arith.constant 0 : i32
    %dma_start3A_491 = tpu.memref_slice %arg7[%dma_start3A_486, %dma_start3A_490] : memref<4x80xi32, #tpu.memory_space<vmem>> -> memref<1x80xi32, #tpu.memory_space<vmem>>
    %dma_start3A_492 = tpu.memref_squeeze %dma_start3A_491 : memref<1x80xi32, #tpu.memory_space<vmem>> -> memref<80xi32, #tpu.memory_space<vmem>>
    %dma_start3A_493 = arith.constant 0 : i32
    %dma_start3A_494 = arith.constant 0 : i32
    %dma_start3A_495 = tpu.memref_slice %arg5[%dma_start3A_493, %dma_start3A_494] : memref<10520x128xf32, #tpu.memory_space<hbm>> -> memref<10520x128xf32, #tpu.memory_space<hbm>>
    tpu.enqueue_indirect_dma source(%dma_start3A_489 : memref<80x128xf32, #tpu.memory_space<vmem>>) target(%dma_start3A_495 : memref<10520x128xf32, #tpu.memory_space<hbm>>) offsets(%dma_start3A_492 : memref<80xi32, #tpu.memory_space<vmem>>) semaphore(%arg9 : memref<!tpu.dma_semaphore, #tpu.memory_space<semaphore_mem>>)
    %dma_wait3A = arith.constant 0 : i32
    %dma_wait3A_496 = arith.constant 0 : i32
    %dma_wait3A_497 = arith.constant 0 : i32
    %dma_wait3A_498 = tpu.memref_slice %arg8[%dma_wait3A_496, %dma_wait3A_497] : memref<320x128xf32, #tpu.memory_space<vmem>> -> memref<80x128xf32, #tpu.memory_space<vmem>>
    %dma_wait3A_499 = arith.constant 0 : i32
    %dma_wait3A_500 = tpu.memref_slice %arg7[%dma_wait3A, %dma_wait3A_499] : memref<4x80xi32, #tpu.memory_space<vmem>> -> memref<1x80xi32, #tpu.memory_space<vmem>>
    %dma_wait3A_501 = tpu.memref_squeeze %dma_wait3A_500 : memref<1x80xi32, #tpu.memory_space<vmem>> -> memref<80xi32, #tpu.memory_space<vmem>>
    %dma_wait3A_502 = arith.constant 0 : i32
    %dma_wait3A_503 = arith.constant 0 : i32
    %dma_wait3A_504 = tpu.memref_slice %arg5[%dma_wait3A_502, %dma_wait3A_503] : memref<10520x128xf32, #tpu.memory_space<hbm>> -> memref<10520x128xf32, #tpu.memory_space<hbm>>
    tpu.wait_indirect_dma semaphore(%arg9 : memref<!tpu.dma_semaphore, #tpu.memory_space<semaphore_mem>>) src(%dma_wait3A_498 : memref<80x128xf32, #tpu.memory_space<vmem>>) dst(%dma_wait3A_504 : memref<10520x128xf32, #tpu.memory_space<hbm>>)
    %dma_wait3A_505 = arith.constant 1 : i32
    %dma_wait3A_506 = arith.constant 80 : i32
    %dma_wait3A_507 = arith.constant 0 : i32
    %dma_wait3A_508 = tpu.memref_slice %arg8[%dma_wait3A_506, %dma_wait3A_507] : memref<320x128xf32, #tpu.memory_space<vmem>> -> memref<80x128xf32, #tpu.memory_space<vmem>>
    %dma_wait3A_509 = arith.constant 0 : i32
    %dma_wait3A_510 = tpu.memref_slice %arg7[%dma_wait3A_505, %dma_wait3A_509] : memref<4x80xi32, #tpu.memory_space<vmem>> -> memref<1x80xi32, #tpu.memory_space<vmem>>
    %dma_wait3A_511 = tpu.memref_squeeze %dma_wait3A_510 : memref<1x80xi32, #tpu.memory_space<vmem>> -> memref<80xi32, #tpu.memory_space<vmem>>
    %dma_wait3A_512 = arith.constant 0 : i32
    %dma_wait3A_513 = arith.constant 0 : i32
    %dma_wait3A_514 = tpu.memref_slice %arg5[%dma_wait3A_512, %dma_wait3A_513] : memref<10520x128xf32, #tpu.memory_space<hbm>> -> memref<10520x128xf32, #tpu.memory_space<hbm>>
    tpu.wait_indirect_dma semaphore(%arg9 : memref<!tpu.dma_semaphore, #tpu.memory_space<semaphore_mem>>) src(%dma_wait3A_508 : memref<80x128xf32, #tpu.memory_space<vmem>>) dst(%dma_wait3A_514 : memref<10520x128xf32, #tpu.memory_space<hbm>>)
    %dma_wait3A_515 = arith.constant 2 : i32
    %dma_wait3A_516 = arith.constant 160 : i32
    %dma_wait3A_517 = arith.constant 0 : i32
    %dma_wait3A_518 = tpu.memref_slice %arg8[%dma_wait3A_516, %dma_wait3A_517] : memref<320x128xf32, #tpu.memory_space<vmem>> -> memref<80x128xf32, #tpu.memory_space<vmem>>
    %dma_wait3A_519 = arith.constant 0 : i32
    %dma_wait3A_520 = tpu.memref_slice %arg7[%dma_wait3A_515, %dma_wait3A_519] : memref<4x80xi32, #tpu.memory_space<vmem>> -> memref<1x80xi32, #tpu.memory_space<vmem>>
    %dma_wait3A_521 = tpu.memref_squeeze %dma_wait3A_520 : memref<1x80xi32, #tpu.memory_space<vmem>> -> memref<80xi32, #tpu.memory_space<vmem>>
    %dma_wait3A_522 = arith.constant 0 : i32
    %dma_wait3A_523 = arith.constant 0 : i32
    %dma_wait3A_524 = tpu.memref_slice %arg5[%dma_wait3A_522, %dma_wait3A_523] : memref<10520x128xf32, #tpu.memory_space<hbm>> -> memref<10520x128xf32, #tpu.memory_space<hbm>>
    tpu.wait_indirect_dma semaphore(%arg9 : memref<!tpu.dma_semaphore, #tpu.memory_space<semaphore_mem>>) src(%dma_wait3A_518 : memref<80x128xf32, #tpu.memory_space<vmem>>) dst(%dma_wait3A_524 : memref<10520x128xf32, #tpu.memory_space<hbm>>)
    %dma_wait3A_525 = arith.constant 3 : i32
    %dma_wait3A_526 = arith.constant 240 : i32
    %dma_wait3A_527 = arith.constant 0 : i32
    %dma_wait3A_528 = tpu.memref_slice %arg8[%dma_wait3A_526, %dma_wait3A_527] : memref<320x128xf32, #tpu.memory_space<vmem>> -> memref<80x128xf32, #tpu.memory_space<vmem>>
    %dma_wait3A_529 = arith.constant 0 : i32
    %dma_wait3A_530 = tpu.memref_slice %arg7[%dma_wait3A_525, %dma_wait3A_529] : memref<4x80xi32, #tpu.memory_space<vmem>> -> memref<1x80xi32, #tpu.memory_space<vmem>>
    %dma_wait3A_531 = tpu.memref_squeeze %dma_wait3A_530 : memref<1x80xi32, #tpu.memory_space<vmem>> -> memref<80xi32, #tpu.memory_space<vmem>>
    %dma_wait3A_532 = arith.constant 0 : i32
    %dma_wait3A_533 = arith.constant 0 : i32
    %dma_wait3A_534 = tpu.memref_slice %arg5[%dma_wait3A_532, %dma_wait3A_533] : memref<10520x128xf32, #tpu.memory_space<hbm>> -> memref<10520x128xf32, #tpu.memory_space<hbm>>
    tpu.wait_indirect_dma semaphore(%arg9 : memref<!tpu.dma_semaphore, #tpu.memory_space<semaphore_mem>>) src(%dma_wait3A_528 : memref<80x128xf32, #tpu.memory_space<vmem>>) dst(%dma_wait3A_534 : memref<10520x128xf32, #tpu.memory_space<hbm>>)
    return
  }
}

module attributes {stable_mosaic.version = 14 : i64} {
  func.func @_copy_body(%arg0: i32, %arg1: memref<200x10000xf32, #tpu.memory_space<vmem>>, %arg2: memref<200x10000xf32, #tpu.memory_space<vmem>>) attributes {dimension_semantics = [#tpu.dimension_semantics<arbitrary>], iteration_bounds = array<i64: 50>, scalar_prefetch = 0 : i64, scratch_operands = 0 : i64, tpu.core_type = #tpu.core_type<tc>, window_params = [{transform_indices = @transform_0, window_bounds = array<i64: 200, 10000>}, {transform_indices = @transform_1, window_bounds = array<i64: 200, 10000>}]} {
    %get3A = arith.constant 0 : index
    %get3A_0 = arith.constant 0 : index
    %get3A_1 = vector.load %arg1[%get3A, %get3A_0] : memref<200x10000xf32, #tpu.memory_space<vmem>>, vector<200x10000xf32>
    %swap3A = arith.constant 0 : index
    %swap3A_2 = arith.constant 0 : index
    %swap3A_3 = vector.load %arg2[%swap3A, %swap3A_2] : memref<200x10000xf32, #tpu.memory_space<vmem>>, vector<200x10000xf32>
    tpu.vector_store %arg2[%swap3A, %swap3A_2], %get3A_1 {strides = array<i32>} : memref<200x10000xf32, #tpu.memory_space<vmem>>, vector<200x10000xf32>,
    return
  }
  func.func @transform_0(%arg0: i32) -> (i32, i32) {
    %c0_i32 = arith.constant 0 : i32
    %c0_i32_0 = arith.constant 0 : i32
    return %arg0, %c0_i32 : i32, i32
  }
  func.func @transform_1(%arg0: i32) -> (i32, i32) {
    %c0_i32 = arith.constant 0 : i32
    %c0_i32_0 = arith.constant 0 : i32
    return %arg0, %c0_i32 : i32, i32
  }
}

</mosaic_0001>

<sc_bundles>
// kernel: kernel.4.cloned.1.call-start
scs
__scs_entry_jumppad:
0x0: {  	(pc) =	sbr.rel $0x88, $3  }
0x1: {  	(tag) =	ssettag $0x0;
	lr =	simm.s32 $0x1  }
0x2: {  	[smem:$0x3F9E] =	sst lr;
	_ =	strace $0xD0000000  }
0x3: {  	_ = 	snop  }
0x4: {  	_ = 	snop  }
0x5: {  	_ = 	snop  }
0x6: {  	_ = 	snop  }
0x7: {  	_ = 	snop  }
__scs_overlays_trampoline_lowered:
0x8: {  	[smem:$0x3FAD] =	sst s0  }
0x9: {  	[smem:$0x3FAE] =	sst s1  }
0xa: {  	[smem:$0x3FAF] =	sst s2  }
0xb: {  	[smem:$0x3FB0] =	sst s3  }
0xc: {  	[smem:$0x3FB1] =	sst s4  }
0xd: {  	[smem:$0x3FB2] =	sst s5  }
0xe: {  	[smem:$0x3FB3] =	sst s6  }
0xf: {  	[smem:$0x3FB4] =	sst s7  }
0x10: {  	[smem:$0x3FB5] =	sst s8  }
0x11: {  	[smem:$0x3FB6] =	sst s9;
	s0 =	simm.s32 @!p0 $0x0  }
0x12: {  	s1 =	sld [smem:$0x3F9C];
	s0 =	simm.s32 @p0 $0x1  }
0x13: {  	[smem:$0x3FB7] =	sst s0;
	s0 =	simm.s32 @!p1 $0x0  }
0x14: {  	s2 =	sld [smem:$0x3F9B];
	s0 =	simm.s32 @p1 $0x1  }
0x15: {  	[smem:$0x3FB8] =	sst s0;
	s0 =	simm.s32 @!p2 $0x0  }
0x16: {  	s3 =	sld [smem:$0x3FDB];
	s0 =	simm.s32 @p2 $0x1  }
0x17: {  	s4 =	simm.s32 $0x1BF5;
	[smem:$0x3FBA] =	sst s0  }
0x18: {  	s0 =	sld [smem:$0x3F9D];
	_ =	swait.ge [sflag:s4], $0x0  }
0x19: {  	s7 =	sld [smem:$0x3F9E]  }
0x1a: {  	s8 =	sadd.s32 $0xFFFFE003, lr  }
0x1b: {  	s9 =	sadd.s32 $0xFFFFFEF7, lr;
	s5 =	simm.s32 $0xFFFFFFFF;
	p2 =	slt.u32 s8, $0xFFFFF086  }
0x1c: {  	p1 =	slt.u32 s9, $0xF7A;
	s5 =	simm.s32 @!p2 $0x0  }
0x1d: {  	s5 =	simm.s32 @p1 $0x1;
	p0 =	seq.s32 s7, s2  }
0x1e: {  	s7 =	smul.u32 @!p0 $0xF7A, s2;
	p2 =	seq.s32 @!p0 s5, $0x0  }
0x1f: {  	s9 =	smul.u32 $0xF7A, s1;
	s8 =	simm.s32 @!p0 $0x1BF5;
	p2 =	por !p2, p0  }
0x20: {  	[sflag:s8] =	ssyncset.s32 @!p0 $0xFFFFF086;
	s6 =	sadd.s32 @!p0 s3, s7;
	s7 =	simm.s32 @!p0 $0x108  }
0x21: {  	s3 =	sadd.s32 s3, s9;
	s6 =	sadd.s32 @!p0 $0x88, s6;
	s7 =	simm.s32 @p2 $0x1082  }
0x22: {  	[simem:s7], [sflag:s8] =	dma.local @!p0 [hbm:s6], $0xF7A  }
0x23: {  	s9 =	sor.u32 $0xD0000000, s2;
	s6 =	simm.s32 $0x108;
	_ =	swait.ge @!p0 [sflag:s8], $0x0  }
0x24: {  	s3 =	sadd.s32 $0x88, s3;
	s6 =	simm.s32 @!p1 $0x1082;
	[sflag:s4] =	ssyncset.s32 $0xFFFFF086  }
0x25: {  	[simem:s6], [sflag:s4] =	dma.local [hbm:s3], $0xF7A  }
0x26: {  	[smem:$0x3F9E] =	sst s1;
	(tag) =	ssettag s2;
	_ =	strace s9  }
0x27: {  	s1 =	sld [smem:$0x3FAE]  }
0x28: {  	s2 =	sld [smem:$0x3FAF]  }
0x29: {  	s4 =	sld [smem:$0x3FB1]  }
0x2a: {  	p0 =	seq.s32 s5, $0x0;
	s5 =	sld [smem:$0x3FB2]  }
0x2b: {  	s6 =	sld [smem:$0x3FB3]  }
0x2c: {  	s7 =	sld [smem:$0x3FB4]  }
0x2d: {  	s3 =	simm.s32 $0x108;
	s8 =	sld [smem:$0x3FB5]  }
0x2e: {  	s3 =	simm.s32 @!p0 $0x1082;
	s9 =	sld [smem:$0x3FB6]  }
0x2f: {  	lr =	sadd.s32 s0, s3;
	s0 =	sld [smem:$0x3FAD]  }
0x30: {  	s3 =	sld [smem:$0x3FB0]  }
0x31: {  	[smem:$0x3FB9] =	sst s10  }
0x32: {  	s10 =	sld [smem:$0x3FB7];
	_ =	sdelay $0x3  }
0x33: {  	p0 =	seq.s32 s10, $0x1;
	s10 =	sld [smem:$0x3FB9];
	_ =	sdelay $0x3  }
0x34: {  	[smem:$0x3FB9] =	sst s10  }
0x35: {  	s10 =	sld [smem:$0x3FB8];
	_ =	sdelay $0x3  }
0x36: {  	p1 =	seq.s32 s10, $0x1;
	s10 =	sld [smem:$0x3FB9];
	_ =	sdelay $0x3  }
0x37: {  	[smem:$0x3FB9] =	sst s10  }
0x38: {  	s10 =	sld [smem:$0x3FBA]  }
0x39: {  	_ = 	snop;
	(pc) =	sbr.ind lr, $3  }
0x3a: {  	_ = 	snop  }
0x3b: {  	_ = 	snop  }
0x3c: {  	p2 =	seq.s32 s10, $0x1;
	s10 =	sld [smem:$0x3FB9]  }
0x3d: {  	_ =	shalt  }
0x3e: {  	_ =	shalt  }
0x3f: {  	_ =	shalt  }
0x40: {  	_ =	shalt  }
0x41: {  	_ =	shalt  }
0x42: {  	_ =	shalt  }
0x43: {  	_ =	shalt  }
0x44: {  	_ =	shalt  }
0x45: {  	_ =	shalt  }
0x46: {  	_ =	shalt  }
0x47: {  	_ =	shalt  }
0x48: {  	_ =	shalt  }
0x49: {  	_ =	shalt  }
0x4a: {  	_ =	shalt  }
0x4b: {  	_ =	shalt  }
0x4c: {  	_ =	shalt  }
0x4d: {  	_ =	shalt  }
0x4e: {  	_ =	shalt  }
0x4f: {  	_ =	shalt  }
0x50: {  	_ =	shalt  }
0x51: {  	_ =	shalt  }
0x52: {  	_ =	shalt  }
0x53: {  	_ =	shalt  }
0x54: {  	_ =	shalt  }
0x55: {  	_ =	shalt  }
0x56: {  	_ =	shalt  }
0x57: {  	_ =	shalt  }
0x58: {  	_ =	shalt  }
0x59: {  	_ =	shalt  }
0x5a: {  	_ =	shalt  }
0x5b: {  	_ =	shalt  }
0x5c: {  	_ =	shalt  }
0x5d: {  	_ =	shalt  }
0x5e: {  	_ =	shalt  }
0x5f: {  	_ =	shalt  }
0x60: {  	_ =	shalt  }
0x61: {  	_ =	shalt  }
0x62: {  	_ =	shalt  }
0x63: {  	_ =	shalt  }
0x64: {  	_ =	shalt  }
0x65: {  	_ =	shalt  }
0x66: {  	_ =	shalt  }
0x67: {  	_ =	shalt  }
0x68: {  	_ =	shalt  }
0x69: {  	_ =	shalt  }
0x6a: {  	_ =	shalt  }
0x6b: {  	_ =	shalt  }
0x6c: {  	_ =	shalt  }
0x6d: {  	_ =	shalt  }
0x6e: {  	_ =	shalt  }
0x6f: {  	_ =	shalt  }
0x70: {  	_ =	shalt  }
0x71: {  	_ =	shalt  }
0x72: {  	_ =	shalt  }
0x73: {  	_ =	shalt  }
0x74: {  	_ =	shalt  }
0x75: {  	_ =	shalt  }
0x76: {  	_ =	shalt  }
0x77: {  	_ =	shalt  }
0x78: {  	_ =	shalt  }
0x79: {  	_ =	shalt  }
0x7a: {  	_ =	shalt  }
0x7b: {  	_ =	shalt  }
0x7c: {  	_ =	shalt  }
0x7d: {  	_ =	shalt  }
0x7e: {  	_ =	shalt  }
0x7f: {  	_ =	shalt  }
0x80: {  	_ =	shalt  }
0x81: {  	_ =	shalt  }
0x82: {  	_ =	shalt  }
0x83: {  	_ =	shalt  }
0x84: {  	_ =	shalt  }
0x85: {  	_ =	shalt  }
0x86: {  	_ =	shalt  }
0x87: {  	_ =	shalt  }
.Lfunc_end0:
.L_simem_size_0:
called_computation_lowered:
.L_overlay_start_0:
0x88: {  	s2 =	sld [smem:$0x3FD9]  }
0x89: {  	s3 =	sld [smem:$0x3FFE];
	_ =	sdelay $0x1  }
0x8a: {  	s1 =	srdreg.scid  }
0x8b: {  	s0 =	sand.u32 $0x1, s1  }
0x8c: {  	s14 =	sshll.u32 s0, $0xA;
	s2 =	sadd.s32 s3, s2  }
0x8d: {  	s2 =	sadd.s32 s2, s14  }
0x8e: {  	[smem:$0x3FC5] =	sst s2  }
0x8f: {  	_ = 	snop  }
0x90: {  	s2 =	sld [smem:$0x3FD0];
	_ =	sdelay $0x1  }
0x91: {  	s15 =	sld [smem:$0x3FC8]  }
0x92: {  	s5 =	simm.s32 $0xA;
	s6 =	simm.s32 $0x10;
	s4 =	sld [smem:$0x3FC7]  }
0x93: {  	[smem:s6], [sflag:s5] =	dma.local [hbm:s2], $0x1  }
0x94: {  	_ =	swait.eq [sflag:s5], $0x1  }
0x95: {  	[sflag:s5] =	ssyncset.done $0x0  }
0x96: {  	[sflag:s5] =	ssyncadd.s32 $0xFFFFFFFF  }
0x97: {  	s16 =	sld [smem:$0x11];
	(tm) =	ssettm $0x1  }
0x98: {  	s17 =	sld [smem:$0x3FFB];
	_ =	sdelay $0x3  }
0x99: {  	_ =	strace s17  }
0x9a: {  	s5 =	sld [smem:$0x3FFC];
	_ =	sdelay $0x3  }
0x9b: {  	_ =	strace s5  }
0x9c: {  	s5 =	sld [smem:$0x3FFD];
	_ =	sdelay $0x3  }
0x9d: {  	_ =	strace s5  }
0x9e: {  	_ =	strace $0x8FFFFFFF  }
0x9f: {  	s18 =	sld [smem:$0x3FDB];
	_ =	sdelay $0x1  }
0xa0: {  	s19 =	simm.s32 $_scs_section_size  }
0xa1: {  	s7 =	simm.s32 $_size__tile_overlayer_lowered;
	s8 =	simm.s32 $_tile_overlayer_lowered  }
0xa2: {  	s22 =	simm.s32 $0x1BFF;
	s21 =	sshll.u32 s8, $0x1;
	s5 =	sadd.s32 s19, s18  }
0xa3: {  	s9 =	simm.s32 $0x0;
	s20 =	sshll.u32 s7, $0x1;
	s7 =	sadd.s32 s21, s5  }
0xa4: {  	[timem:s9], [sflag:s22] =	dma.local [hbm:s7], s20  }
0xa5: {  	_ =	swait.ge [sflag:s22], s20  }
0xa6: {  	s6 =	ssub.s32 $0x0, s20;
	[sflag:s22] =	ssyncset.done $0x0  }
0xa7: {  	[sflag:s22] =	ssyncadd.s32 s6;
	_ =	sdelay $0x1  }
0xa8: {  	s23 =	simm.s32 $0x1B8B  }
0xa9: {  	_ =	swait.ge [sflag:s23], $0x1  }
0xaa: {  	[sflag:s23] =	ssyncset.done $0x0  }
0xab: {  	s25 =	simm.s32 $0x1B8E;
	s24 =	sld [smem:$0x3FFE];
	[sflag:s23] =	ssyncadd.s32 $0xFFFFFFFF  }
0xac: {  	s26 =	simm.s32 $execute0_lowered;
	[smem:$0x3FD2] =	sst s25  }
0xad: {  	s7 =	sshll.u32 s26, $0x1;
	_ =	strace $0x80000046;
	[dreg:$0x1] =	wrdreg $0xFFFFFFFF  }
0xae: {  	s28 =	simm.s32 $_size_execute0_lowered;
	s5 =	sadd.s32 s5, s7;
	[dreg:$0x0] =	wrdreg $0x0  }
0xaf: {  	s7 =	sshll.u32 s28, $0x1;
	[dreg:$0x2] =	wrdreg s5  }
0xb0: {  	[dreg:$0x3] =	wrdreg s7  }
0xb1: {  	[dreg:$0x4] =	wrdreg $0xC0  }
0xb2: {  	_ =	task [dreg:s9], $0x5FFFF  }
0xb3: {  	[dreg:$0x1] =	wrdreg $0xFFFFFFFF  }
0xb4: {  	[dreg:$0x0] =	wrdreg $0x60  }
0xb5: {  	[dreg:$0x2] =	wrdreg s15  }
0xb6: {  	[dreg:$0x3] =	wrdreg s4  }
0xb7: {  	[dreg:$0x4] =	wrdreg s16  }
0xb8: {  	[dreg:$0x5] =	wrdreg s24  }
0xb9: {  	[dreg:$0x6] =	wrdreg $0x9  }
0xba: {  	_ =	task.clear_ibuf [dreg:s9], $0x7FFFF;
	_ =	strace $0x90000046  }
0xbb: {  	s29 =	simm.s32 $0x9;
	_ =	strace $0x80000048  }
0xbc: {  	_ =	swait.ge [sflag:s29], $0x1  }
0xbd: {  	[sflag:s29] =	ssyncadd.s32 $0xFFFFFFFF  }
0xbe: {  	_ =	strace $0x90000048  }
0xbf: {  	_ =	sfence  }
0xc0: {  	s30 =	sld [smem:$0x0];
	_ =	sdelay $0x2  }
0xc1: {  	s31 =	sshll.u32 s1, $0xD;
	s1 =	sshrl.u32 s1, $0x2  }
0xc2: {  	s3 =	sand.u32 $0x4000, s31;
	s1 =	sadd.s32 s1, s30  }
0xc3: {  	s0 =	sor.u32 s3, s0;
	s1 =	sshll.u32 s1, $0x11  }
0xc4: {  	s0 =	sor.u32 s1, s0  }
0xc5: {  	s0 =	sadd.s32 $0x8F2B, s0  }
0xc6: {  	[sflag:s0] =	ssyncadd.remote.s32 $0x1  }
0xc7: {  	_ =	sfence.sel $0xFFFF  }
0xc8: {  	[dreg:$0x0] =	wrdreg $0xFFFFFFFF;
	(pc) =	sbr.abs _section_cstart, $3  }
0xc9: {  	[dreg:$0x1] =	wrdreg $0xFFFFFFFF  }
0xca: {  	_ =	task.clear_ibuf [dreg:s9], $0x2FFFF;
	_ =	strace $0x9FFFFFFF  }
0xcb: {  	(tm) =	ssettm $0x7FFFFFFF  }
tec
execute0_lowered:
.L_overlay_start_1:
0x0: {  	(tag) =	ssettag $0x1  }
0x1: {  	s13 =	rddreg [dreg:$0x0]  }
0x2: {  	s4 =	rddreg [dreg:$0x1];
	s0 =	stileid.u32  }
0x3: {  	s2 =	rddreg [dreg:$0x2];
	s5 =	smul.u32 $0x140, s0  }
0x4: {  	s11 =	rddreg [dreg:$0x3]  }
0x5: {  	s1 =	rddreg [dreg:$0x4];
	s3 =	simm.s32 $0x0;
	s14 =	smin.u32 s5, $0x1248  }
0x6: {  	[smem:$0x7FF] =	sst s3;
	s5 =	sshrl.u32 s14, $0x3  }
0x7: {  	_ =	strace $0x80000047;
	s4 =	sadd.s32 s4, s5;
	s5 =	simm.s32 $0x2  }
0x8: {  	[tilespmem:s3], [sflag:$0x2] =	stream.linear.gather [hbm4b:s4+s3], $0x140, $0x38;
	[tilespmem:$0xA380] =	vst v63  }
0x9: {  	_ =	swait.ge [sflag:s5], $0x140  }
0xa: {  	p0 =	seq.s32 s0, $0xF;
	[sflag:s5] =	ssyncset.done $0x0  }
0xb: {  	v0 =	vimm.s32 @p0 $0x2710;
	s7 =	simm.s32 @!p0 $0x0;
	[sflag:s5] =	ssyncadd.s32 $0xFFFFFEC0  }
0xc: {  	s8 =	simm.s32 @!p0 $0x140;
	s9 =	simm.s32 @!p0 $0x2;
	s6 =	sadd.s32 $0x28, s4;
	[tilespmem:$0x140] =	vst @p0 v0  }
0xd: {  	[tilespmem:s8], [sflag:$0x2] =	stream.linear.gather @!p0 [hbm4b:s6+s7], $0x10, $0x38;
	[tilespmem:$0xA380] =	vst v63  }
0xe: {  	s10 =	srdreg.scid;
	_ =	swait.ge @!p0 [sflag:s9], $0x10  }
0xf: {  	s23 =	sand.u32 $0x1, s10;
	[sflag:s9] =	ssyncset.done @!p0 $0x0  }
0x10: {  	s10 =	simm.s32 $0x380;
	s15 =	smul.u32 $0x1388, s23;
	[sflag:s9] =	ssyncadd.s32 @!p0 $0xFFFFFFF0  }
0x11: {  	[tilespmem:s10], [sflag:$0x2] =	stream.linear.gather [hbm4b:s2+s3], $0xA000, $0x38;
	[tilespmem:$0xA380] =	vst v63  }
0x12: {  	s12 =	sadd.s32 s15, s14;
	_ =	swait.ge [sflag:s5], $0xA000  }
0x13: {  	s11 =	sadd.s32 $0x400, s11;
	s12 =	sshll.u32 s12, $0x4;
	[sflag:s5] =	ssyncset.done $0x0  }
0x14: {  	v22 =	vlaneseq.u32;
	s12 =	sadd.s32 s11, s12;
	[sflag:s5] =	ssyncadd.s32 $0xFFFF6000  }
0x15: {  	v1 =	vadd.s32 $0x1, v22;
	[hbm4b:s12+s3] =	stream.linear.scatter [tilespmem:s10], [sflag:$0x2], $0xA000, $0x38;
	[tilespmem:$0xA380] =	vst v63  }
0x16: {  	_ =	swait.ge [sflag:s5], $0xA000  }
0x17: {  	[sflag:s5] =	ssyncset.done $0x0  }
0x18: {  	[sflag:s5] =	ssyncadd.s32 $0xFFFF6000  }
0x19: {  	v5 =	vld [tilespmem:$0x0]  }
0x1a: {  	v4 =	vld.idx.msk [tilespmem:v1+s3+$0x0], $0xffff;
	_ =	sdelay $0x2  }
0x1b: {  	s17 =	sshll.u32 s0, $0x4;
	s16 =	sshll.u32 s23, $0x8;
	v2 =	vmov s15  }
0x1c: {  	v3 =	vadd.s32 $0x11, v22;
	s31 =	sor.u32 s16, s17;
	v6 =	vsub.s32 v5, v2  }
0x1d: {  	s15 =	sadd.s32 $0x2710, s31;
	vm1 =	vne.s32 v5, v4;
	vm0 =	vlt.u32 v6, $0x1388  }
0x1e: {  	v4 =	vor.u32 s15, v22;
	vm0 =	vmand vm1, vm0  }
0x1f: {  	v5 =	vsel vm0, v5, v4  }
0x20: {  	v6 =	vld [tilespmem:$0x10];
	[tilespmem:$0x180] =	vst v5  }
0x21: {  	v7 =	vld.idx.msk [tilespmem:v3+s3+$0x0], $0xffff;
	_ =	sdelay $0x3  }
0x22: {  	v5 =	vadd.s32 $0x21, v22;
	v8 =	vsub.s32 v6, v2  }
0x23: {  	vm14 =	vlt.u32 v8, $0x1388;
	vm15 =	vne.s32 v6, v7  }
0x24: {  	vm0 =	vmand vm15, vm14  }
0x25: {  	v6 =	vsel vm0, v6, v4  }
0x26: {  	v7 =	vld [tilespmem:$0x20];
	[tilespmem:$0x190] =	vst v6  }
0x27: {  	v8 =	vld.idx.msk [tilespmem:v5+s3+$0x0], $0xffff;
	_ =	sdelay $0x3  }
0x28: {  	v6 =	vadd.s32 $0x31, v22;
	v9 =	vsub.s32 v7, v2  }
0x29: {  	vm4 =	vlt.u32 v9, $0x1388;
	vm5 =	vne.s32 v7, v8  }
0x2a: {  	vm0 =	vmand vm5, vm4  }
0x2b: {  	v7 =	vsel vm0, v7, v4  }
0x2c: {  	v8 =	vld [tilespmem:$0x30];
	[tilespmem:$0x1A0] =	vst v7  }
0x2d: {  	v9 =	vld.idx.msk [tilespmem:v6+s3+$0x0], $0xffff;
	_ =	sdelay $0x3  }
0x2e: {  	v7 =	vadd.s32 $0x41, v22;
	v10 =	vsub.s32 v8, v2  }
0x2f: {  	vm6 =	vlt.u32 v10, $0x1388;
	vm7 =	vne.s32 v8, v9  }
0x30: {  	vm0 =	vmand vm7, vm6  }
0x31: {  	v8 =	vsel vm0, v8, v4  }
0x32: {  	v9 =	vld [tilespmem:$0x40];
	[tilespmem:$0x1B0] =	vst v8  }
0x33: {  	v10 =	vld.idx.msk [tilespmem:v7+s3+$0x0], $0xffff;
	_ =	sdelay $0x3  }
0x34: {  	v8 =	vadd.s32 $0x51, v22;
	v11 =	vsub.s32 v9, v2  }
0x35: {  	vm8 =	vlt.u32 v11, $0x1388;
	vm9 =	vne.s32 v9, v10  }
0x36: {  	vm0 =	vmand vm9, vm8  }
0x37: {  	v9 =	vsel vm0, v9, v4  }
0x38: {  	v10 =	vld [tilespmem:$0x50];
	[tilespmem:$0x1C0] =	vst v9  }
0x39: {  	v11 =	vld.idx.msk [tilespmem:v8+s3+$0x0], $0xffff;
	_ =	sdelay $0x3  }
0x3a: {  	v9 =	vadd.s32 $0x61, v22;
	v12 =	vsub.s32 v10, v2  }
0x3b: {  	vm10 =	vlt.u32 v12, $0x1388;
	vm11 =	vne.s32 v10, v11  }
0x3c: {  	vm0 =	vmand vm11, vm10  }
0x3d: {  	v10 =	vsel vm0, v10, v4  }
0x3e: {  	v11 =	vld [tilespmem:$0x60];
	[tilespmem:$0x200] =	vst v10  }
0x3f: {  	v12 =	vld.idx.msk [tilespmem:v9+s3+$0x0], $0xffff;
	_ =	sdelay $0x3  }
0x40: {  	v10 =	vadd.s32 $0x71, v22;
	v13 =	vsub.s32 v11, v2  }
0x41: {  	vm12 =	vlt.u32 v13, $0x1388;
	vm13 =	vne.s32 v11, v12  }
0x42: {  	vm0 =	vmand vm13, vm12  }
0x43: {  	v11 =	vsel vm0, v11, v4  }
0x44: {  	v12 =	vld [tilespmem:$0x70];
	[tilespmem:$0x210] =	vst v11  }
0x45: {  	v13 =	vld.idx.msk [tilespmem:v10+s3+$0x0], $0xffff;
	_ =	sdelay $0x3  }
0x46: {  	v11 =	vadd.s32 $0x81, v22;
	v14 =	vsub.s32 v12, v2  }
0x47: {  	vm14 =	vlt.u32 v14, $0x1388;
	vm15 =	vne.s32 v12, v13  }
0x48: {  	vm0 =	vmand vm15, vm14  }
0x49: {  	v12 =	vsel vm0, v12, v4  }
0x4a: {  	v13 =	vld [tilespmem:$0x80];
	[tilespmem:$0x220] =	vst v12  }
0x4b: {  	v14 =	vld.idx.msk [tilespmem:v11+s3+$0x0], $0xffff;
	_ =	sdelay $0x3  }
0x4c: {  	v12 =	vadd.s32 $0x91, v22;
	v15 =	vsub.s32 v13, v2  }
0x4d: {  	vm4 =	vlt.u32 v15, $0x1388;
	vm5 =	vne.s32 v13, v14  }
0x4e: {  	vm0 =	vmand vm5, vm4  }
0x4f: {  	v13 =	vsel vm0, v13, v4  }
0x50: {  	v14 =	vld [tilespmem:$0x90];
	[tilespmem:$0x230] =	vst v13  }
0x51: {  	v15 =	vld.idx.msk [tilespmem:v12+s3+$0x0], $0xffff;
	_ =	sdelay $0x3  }
0x52: {  	v13 =	vadd.s32 $0xA1, v22;
	v16 =	vsub.s32 v14, v2  }
0x53: {  	vm6 =	vlt.u32 v16, $0x1388;
	vm7 =	vne.s32 v14, v15  }
0x54: {  	vm0 =	vmand vm7, vm6  }
0x55: {  	v14 =	vsel vm0, v14, v4  }
0x56: {  	v15 =	vld [tilespmem:$0xA0];
	[tilespmem:$0x240] =	vst v14  }
0x57: {  	v16 =	vld.idx.msk [tilespmem:v13+s3+$0x0], $0xffff;
	_ =	sdelay $0x3  }
0x58: {  	v14 =	vadd.s32 $0xB1, v22;
	v17 =	vsub.s32 v15, v2  }
0x59: {  	vm8 =	vlt.u32 v17, $0x1388;
	vm9 =	vne.s32 v15, v16  }
0x5a: {  	vm0 =	vmand vm9, vm8  }
0x5b: {  	v15 =	vsel vm0, v15, v4  }
0x5c: {  	v16 =	vld [tilespmem:$0xB0];
	[tilespmem:$0x280] =	vst v15  }
0x5d: {  	v17 =	vld.idx.msk [tilespmem:v14+s3+$0x0], $0xffff;
	_ =	sdelay $0x3  }
0x5e: {  	v15 =	vadd.s32 $0xC1, v22;
	v18 =	vsub.s32 v16, v2  }
0x5f: {  	vm10 =	vlt.u32 v18, $0x1388;
	vm11 =	vne.s32 v16, v17  }
0x60: {  	vm0 =	vmand vm11, vm10  }
0x61: {  	v16 =	vsel vm0, v16, v4  }
0x62: {  	v17 =	vld [tilespmem:$0xC0];
	[tilespmem:$0x290] =	vst v16  }
0x63: {  	v18 =	vld.idx.msk [tilespmem:v15+s3+$0x0], $0xffff;
	_ =	sdelay $0x3  }
0x64: {  	v16 =	vadd.s32 $0xD1, v22;
	v19 =	vsub.s32 v17, v2  }
0x65: {  	vm12 =	vlt.u32 v19, $0x1388;
	vm13 =	vne.s32 v17, v18  }
0x66: {  	vm0 =	vmand vm13, vm12  }
0x67: {  	v17 =	vsel vm0, v17, v4  }
0x68: {  	v18 =	vld [tilespmem:$0xD0];
	[tilespmem:$0x2A0] =	vst v17  }
0x69: {  	v19 =	vld.idx.msk [tilespmem:v16+s3+$0x0], $0xffff;
	_ =	sdelay $0x3  }
0x6a: {  	v17 =	vadd.s32 $0xE1, v22;
	v20 =	vsub.s32 v18, v2  }
0x6b: {  	vm14 =	vlt.u32 v20, $0x1388;
	vm15 =	vne.s32 v18, v19  }
0x6c: {  	vm0 =	vmand vm15, vm14  }
0x6d: {  	v18 =	vsel vm0, v18, v4  }
0x6e: {  	v19 =	vld [tilespmem:$0xE0];
	[tilespmem:$0x2B0] =	vst v18  }
0x6f: {  	v20 =	vld.idx.msk [tilespmem:v17+s3+$0x0], $0xffff;
	_ =	sdelay $0x3  }
0x70: {  	v18 =	vadd.s32 $0xF1, v22;
	v21 =	vsub.s32 v19, v2  }
0x71: {  	vm4 =	vlt.u32 v21, $0x1388;
	vm5 =	vne.s32 v19, v20  }
0x72: {  	vm0 =	vmand vm5, vm4  }
0x73: {  	v19 =	vsel vm0, v19, v4  }
0x74: {  	v20 =	vld [tilespmem:$0xF0];
	[tilespmem:$0x2C0] =	vst v19  }
0x75: {  	v21 =	vld.idx.msk [tilespmem:v18+s3+$0x0], $0xffff;
	_ =	sdelay $0x3  }
0x76: {  	v19 =	vadd.s32 $0x101, v22;
	v23 =	vsub.s32 v20, v2  }
0x77: {  	vm6 =	vlt.u32 v23, $0x1388;
	vm7 =	vne.s32 v20, v21  }
0x78: {  	vm0 =	vmand vm7, vm6  }
0x79: {  	v20 =	vsel vm0, v20, v4  }
0x7a: {  	v21 =	vld [tilespmem:$0x100];
	[tilespmem:$0x300] =	vst v20  }
0x7b: {  	v23 =	vld.idx.msk [tilespmem:v19+s3+$0x0], $0xffff;
	_ =	sdelay $0x3  }
0x7c: {  	v20 =	vadd.s32 $0x111, v22;
	v24 =	vsub.s32 v21, v2  }
0x7d: {  	vm8 =	vlt.u32 v24, $0x1388;
	vm9 =	vne.s32 v21, v23  }
0x7e: {  	vm0 =	vmand vm9, vm8  }
0x7f: {  	v21 =	vsel vm0, v21, v4  }
0x80: {  	v23 =	vld [tilespmem:$0x110];
	[tilespmem:$0x310] =	vst v21  }
0x81: {  	v59 =	vld.idx.msk [tilespmem:v20+s3+$0x0], $0xffff;
	_ =	sdelay $0x3  }
0x82: {  	v21 =	vadd.s32 $0x121, v22;
	v25 =	vsub.s32 v23, v2  }
0x83: {  	vm10 =	vlt.u32 v25, $0x1388;
	vm11 =	vne.s32 v23, v59  }
0x84: {  	vm0 =	vmand vm11, vm10  }
0x85: {  	v23 =	vsel vm0, v23, v4  }
0x86: {  	[tilespmem:$0x320] =	vst v23;
	v23 =	vld [tilespmem:$0x120]  }
0x87: {  	v60 =	vld.idx.msk [tilespmem:v21+s3+$0x0], $0xffff;
	_ =	sdelay $0x3  }
0x88: {  	v22 =	vadd.s32 $0x131, v22;
	v61 =	vsub.s32 v23, v2  }
0x89: {  	vm12 =	vlt.u32 v61, $0x1388;
	vm13 =	vne.s32 v23, v60  }
0x8a: {  	vm0 =	vmand vm13, vm12  }
0x8b: {  	v23 =	vsel vm0, v23, v4  }
0x8c: {  	[tilespmem:$0x330] =	vst v23;
	v23 =	vld [tilespmem:$0x130]  }
0x8d: {  	v62 =	vld.idx.msk [tilespmem:v22+s3+$0x0], $0xffff;
	_ =	sdelay $0x3  }
0x8e: {  	v63 =	vsub.s32 v23, v2  }
0x8f: {  	vm14 =	vlt.u32 v63, $0x1388;
	vm15 =	vne.s32 v23, v62  }
0x90: {  	vm0 =	vmand vm15, vm14  }
0x91: {  	s14 =	sshll.u32 s14, $0x4;
	v23 =	vsel vm0, v23, v4  }
0x92: {  	s13 =	sadd.s32 s13, s14;
	[tilespmem:$0x340] =	vst v23  }
0x93: {  	[tilespmem:s10], [sflag:$0x2] =	stream.linear.gather [hbm4b:s13+s3], $0xA000, $0x38;
	[tilespmem:$0xA380] =	vst v63  }
0x94: {  	_ =	swait.ge [sflag:s5], $0xA000  }
0x95: {  	[sflag:s5] =	ssyncset.done $0x0  }
0x96: {  	[sflag:s5] =	ssyncadd.s32 $0xFFFF6000  }
0x97: {  	s14 =	simm.s32 $0x50;
	s15 =	simm.s32 $0x180;
	[bflag:$0x0] =	sbarrier.arrive $0xFFFF  }
0x98: {  	[hbm4b:s11+s14] =	stream.indirect.scatter [tilespmem:s10], [sflag:$0x1], $0x80, s15, s14, $0xb8;
	[tilespmem:$0xA380] =	vst v63  }
0x99: {  	s16 =	simm.s32 $0x200;
	s17 =	simm.s32 $0x2B80  }
0x9a: {  	[hbm4b:s11+s14] =	stream.indirect.scatter [tilespmem:s17], [sflag:$0x1], $0x80, s16, s14, $0xb8;
	[tilespmem:$0xA380] =	vst v63  }
0x9b: {  	s18 =	simm.s32 $0x280;
	s19 =	simm.s32 $0x5380;
	s21 =	simm.s32 $0x300  }
0x9c: {  	[hbm4b:s11+s14] =	stream.indirect.scatter [tilespmem:s19], [sflag:$0x1], $0x80, s18, s14, $0xb8;
	[tilespmem:$0xA380] =	vst v63  }
0x9d: {  	s22 =	simm.s32 $0x7B80;
	s20 =	simm.s32 $0x1;
	s23 =	ssub.s32 $0x2, s23  }
0x9e: {  	[hbm4b:s11+s14] =	stream.indirect.scatter [tilespmem:s22], [sflag:$0x1], $0x80, s21, s14, $0xb8;
	[tilespmem:$0xA380] =	vst v63  }
0x9f: {  	s24 =	sshrl.u32 s23, $0x1;
	_ =	swait.ge [sflag:s20], $0x2800  }
0xa0: {  	s23 =	ssub.s32 s23, s24;
	[sflag:s20] =	ssyncset.done $0x0  }
0xa1: {  	s23 =	smax.u32 s23, $0x1;
	[sflag:s20] =	ssyncadd.s32 $0xFFFFD800  }
0xa2: {  	s23 =	sadd.s32 $0xFFFFFFFF, s23;
	_ =	swait.ge [sflag:s20], $0x2800  }
0xa3: {  	p1 =	sne.s32 s23, $0x0;
	[sflag:s20] =	ssyncset.done $0x0  }
.Ltmp0:
0xa4: {  	[sflag:s20] =	ssyncadd.s32 $0xFFFFD800;
	(pc) =	sbr.rel @!p1 .LBB2_2-.Ltmp0, $4  }
0xa5: {  	_ =	swait.ge [sflag:s20], $0x2800  }
0xa6: {  	[sflag:s20] =	ssyncset.done $0x0  }
0xa7: {  	[sflag:s20] =	ssyncadd.s32 $0xFFFFD800  }
0xa8: {  	_ =	swait.ge [sflag:s20], $0x2800  }
.LBB2_1:
0xa9: {  	s23 =	sadd.s32 $0xFFFFFFFF, s23;
	[sflag:s20] =	ssyncset.done $0x0  }
0xaa: {  	p1 =	sne.s32 s23, $0x0;
	[sflag:s20] =	ssyncadd.s32 $0xFFFFD800  }
0xab: {  	[tilespmem:s3], [sflag:$0x2] =	stream.linear.gather [hbm4b:s4+s3], $0x140, $0x38;
	[tilespmem:$0xA380] =	vst v63  }
0xac: {  	_ =	swait.ge [sflag:s5], $0x140  }
0xad: {  	[sflag:s5] =	ssyncset.done $0x0  }
0xae: {  	[sflag:s5] =	ssyncadd.s32 $0xFFFFFEC0  }
0xaf: {  	[tilespmem:$0x140] =	vst @p0 v0  }
0xb0: {  	[tilespmem:s8], [sflag:$0x2] =	stream.linear.gather @!p0 [hbm4b:s6+s7], $0x10, $0x38;
	[tilespmem:$0xA380] =	vst v63  }
0xb1: {  	_ =	swait.ge @!p0 [sflag:s9], $0x10  }
0xb2: {  	[sflag:s9] =	ssyncset.done @!p0 $0x0  }
0xb3: {  	[sflag:s9] =	ssyncadd.s32 @!p0 $0xFFFFFFF0  }
0xb4: {  	[tilespmem:s10], [sflag:$0x2] =	stream.linear.gather [hbm4b:s2+s3], $0xA000, $0x38;
	[tilespmem:$0xA380] =	vst v63  }
0xb5: {  	_ =	swait.ge [sflag:s5], $0xA000  }
0xb6: {  	[sflag:s5] =	ssyncset.done $0x0  }
0xb7: {  	[sflag:s5] =	ssyncadd.s32 $0xFFFF6000  }
0xb8: {  	[hbm4b:s12+s3] =	stream.linear.scatter [tilespmem:s10], [sflag:$0x2], $0xA000, $0x38;
	[tilespmem:$0xA380] =	vst v63  }
0xb9: {  	_ =	swait.ge [sflag:s5], $0xA000  }
0xba: {  	[sflag:s5] =	ssyncset.done $0x0  }
0xbb: {  	[sflag:s5] =	ssyncadd.s32 $0xFFFF6000  }
0xbc: {  	v23 =	vld [tilespmem:$0x0]  }
0xbd: {  	v24 =	vld.idx.msk [tilespmem:v1+s3+$0x0], $0xffff;
	_ =	sdelay $0x3  }
0xbe: {  	v25 =	vsub.s32 v23, v2  }
0xbf: {  	vm0 =	vlt.u32 v25, $0x1388  }
0xc0: {  	vm1 =	vne.s32 v23, v24  }
0xc1: {  	vm0 =	vmand vm1, vm0  }
0xc2: {  	v23 =	vsel vm0, v23, v4  }
0xc3: {  	[tilespmem:$0x180] =	vst v23;
	v23 =	vld [tilespmem:$0x10]  }
0xc4: {  	v24 =	vld.idx.msk [tilespmem:v3+s3+$0x0], $0xffff;
	_ =	sdelay $0x3  }
0xc5: {  	v25 =	vsub.s32 v23, v2  }
0xc6: {  	vm0 =	vlt.u32 v25, $0x1388  }
0xc7: {  	vm1 =	vne.s32 v23, v24  }
0xc8: {  	vm0 =	vmand vm1, vm0  }
0xc9: {  	v23 =	vsel vm0, v23, v4  }
0xca: {  	[tilespmem:$0x190] =	vst v23;
	v23 =	vld [tilespmem:$0x20]  }
0xcb: {  	v24 =	vld.idx.msk [tilespmem:v5+s3+$0x0], $0xffff;
	_ =	sdelay $0x3  }
0xcc: {  	v25 =	vsub.s32 v23, v2  }
0xcd: {  	vm0 =	vlt.u32 v25, $0x1388  }
0xce: {  	vm1 =	vne.s32 v23, v24  }
0xcf: {  	vm0 =	vmand vm1, vm0  }
0xd0: {  	v23 =	vsel vm0, v23, v4  }
0xd1: {  	[tilespmem:$0x1A0] =	vst v23;
	v23 =	vld [tilespmem:$0x30]  }
0xd2: {  	v24 =	vld.idx.msk [tilespmem:v6+s3+$0x0], $0xffff;
	_ =	sdelay $0x3  }
0xd3: {  	v25 =	vsub.s32 v23, v2  }
0xd4: {  	vm0 =	vlt.u32 v25, $0x1388  }
0xd5: {  	vm1 =	vne.s32 v23, v24  }
0xd6: {  	vm0 =	vmand vm1, vm0  }
0xd7: {  	v23 =	vsel vm0, v23, v4  }
0xd8: {  	[tilespmem:$0x1B0] =	vst v23;
	v23 =	vld [tilespmem:$0x40]  }
0xd9: {  	v24 =	vld.idx.msk [tilespmem:v7+s3+$0x0], $0xffff;
	_ =	sdelay $0x3  }
0xda: {  	v25 =	vsub.s32 v23, v2  }
0xdb: {  	vm0 =	vlt.u32 v25, $0x1388  }
0xdc: {  	vm1 =	vne.s32 v23, v24  }
0xdd: {  	vm0 =	vmand vm1, vm0  }
0xde: {  	v23 =	vsel vm0, v23, v4  }
0xdf: {  	[tilespmem:$0x1C0] =	vst v23;
	v23 =	vld [tilespmem:$0x50]  }
0xe0: {  	v24 =	vld.idx.msk [tilespmem:v8+s3+$0x0], $0xffff;
	_ =	sdelay $0x3  }
0xe1: {  	v25 =	vsub.s32 v23, v2  }
0xe2: {  	vm0 =	vlt.u32 v25, $0x1388  }
0xe3: {  	vm1 =	vne.s32 v23, v24  }
0xe4: {  	vm0 =	vmand vm1, vm0  }
0xe5: {  	v23 =	vsel vm0, v23, v4  }
0xe6: {  	[tilespmem:$0x200] =	vst v23;
	v23 =	vld [tilespmem:$0x60]  }
0xe7: {  	v24 =	vld.idx.msk [tilespmem:v9+s3+$0x0], $0xffff;
	_ =	sdelay $0x3  }
0xe8: {  	v25 =	vsub.s32 v23, v2  }
0xe9: {  	vm0 =	vlt.u32 v25, $0x1388  }
0xea: {  	vm1 =	vne.s32 v23, v24  }
0xeb: {  	vm0 =	vmand vm1, vm0  }
0xec: {  	v23 =	vsel vm0, v23, v4  }
0xed: {  	[tilespmem:$0x210] =	vst v23;
	v23 =	vld [tilespmem:$0x70]  }
0xee: {  	v24 =	vld.idx.msk [tilespmem:v10+s3+$0x0], $0xffff;
	_ =	sdelay $0x3  }
0xef: {  	v25 =	vsub.s32 v23, v2  }
0xf0: {  	vm0 =	vlt.u32 v25, $0x1388  }
0xf1: {  	vm1 =	vne.s32 v23, v24  }
0xf2: {  	vm0 =	vmand vm1, vm0  }
0xf3: {  	v23 =	vsel vm0, v23, v4  }
0xf4: {  	[tilespmem:$0x220] =	vst v23;
	v23 =	vld [tilespmem:$0x80]  }
0xf5: {  	v24 =	vld.idx.msk [tilespmem:v11+s3+$0x0], $0xffff;
	_ =	sdelay $0x3  }
0xf6: {  	v25 =	vsub.s32 v23, v2  }
0xf7: {  	vm0 =	vlt.u32 v25, $0x1388  }
0xf8: {  	vm1 =	vne.s32 v23, v24  }
0xf9: {  	vm0 =	vmand vm1, vm0  }
0xfa: {  	v23 =	vsel vm0, v23, v4  }
0xfb: {  	[tilespmem:$0x230] =	vst v23;
	v23 =	vld [tilespmem:$0x90]  }
0xfc: {  	v24 =	vld.idx.msk [tilespmem:v12+s3+$0x0], $0xffff;
	_ =	sdelay $0x3  }
0xfd: {  	v25 =	vsub.s32 v23, v2  }
0xfe: {  	vm0 =	vlt.u32 v25, $0x1388  }
0xff: {  	vm1 =	vne.s32 v23, v24  }
0x100: {  	vm0 =	vmand vm1, vm0  }
0x101: {  	v23 =	vsel vm0, v23, v4  }
0x102: {  	[tilespmem:$0x240] =	vst v23;
	v23 =	vld [tilespmem:$0xA0]  }
0x103: {  	v24 =	vld.idx.msk [tilespmem:v13+s3+$0x0], $0xffff;
	_ =	sdelay $0x3  }
0x104: {  	v25 =	vsub.s32 v23, v2  }
0x105: {  	vm0 =	vlt.u32 v25, $0x1388  }
0x106: {  	vm1 =	vne.s32 v23, v24  }
0x107: {  	vm0 =	vmand vm1, vm0  }
0x108: {  	v23 =	vsel vm0, v23, v4  }
0x109: {  	[tilespmem:$0x280] =	vst v23;
	v23 =	vld [tilespmem:$0xB0]  }
0x10a: {  	v24 =	vld.idx.msk [tilespmem:v14+s3+$0x0], $0xffff;
	_ =	sdelay $0x3  }
0x10b: {  	v25 =	vsub.s32 v23, v2  }
0x10c: {  	vm0 =	vlt.u32 v25, $0x1388  }
0x10d: {  	vm1 =	vne.s32 v23, v24  }
0x10e: {  	vm0 =	vmand vm1, vm0  }
0x10f: {  	v23 =	vsel vm0, v23, v4  }
0x110: {  	[tilespmem:$0x290] =	vst v23;
	v23 =	vld [tilespmem:$0xC0]  }
0x111: {  	v24 =	vld.idx.msk [tilespmem:v15+s3+$0x0], $0xffff;
	_ =	sdelay $0x3  }
0x112: {  	v25 =	vsub.s32 v23, v2  }
0x113: {  	vm0 =	vlt.u32 v25, $0x1388  }
0x114: {  	vm1 =	vne.s32 v23, v24  }
0x115: {  	vm0 =	vmand vm1, vm0  }
0x116: {  	v23 =	vsel vm0, v23, v4  }
0x117: {  	[tilespmem:$0x2A0] =	vst v23;
	v23 =	vld [tilespmem:$0xD0]  }
0x118: {  	v24 =	vld.idx.msk [tilespmem:v16+s3+$0x0], $0xffff;
	_ =	sdelay $0x3  }
0x119: {  	v25 =	vsub.s32 v23, v2  }
0x11a: {  	vm0 =	vlt.u32 v25, $0x1388  }
0x11b: {  	vm1 =	vne.s32 v23, v24  }
0x11c: {  	vm0 =	vmand vm1, vm0  }
0x11d: {  	v23 =	vsel vm0, v23, v4  }
0x11e: {  	[tilespmem:$0x2B0] =	vst v23;
	v23 =	vld [tilespmem:$0xE0]  }
0x11f: {  	v24 =	vld.idx.msk [tilespmem:v17+s3+$0x0], $0xffff;
	_ =	sdelay $0x3  }
0x120: {  	v25 =	vsub.s32 v23, v2  }
0x121: {  	vm0 =	vlt.u32 v25, $0x1388  }
0x122: {  	vm1 =	vne.s32 v23, v24  }
0x123: {  	vm0 =	vmand vm1, vm0  }
0x124: {  	v23 =	vsel vm0, v23, v4  }
0x125: {  	[tilespmem:$0x2C0] =	vst v23;
	v23 =	vld [tilespmem:$0xF0]  }
0x126: {  	v24 =	vld.idx.msk [tilespmem:v18+s3+$0x0], $0xffff;
	_ =	sdelay $0x3  }
0x127: {  	v25 =	vsub.s32 v23, v2  }
0x128: {  	vm0 =	vlt.u32 v25, $0x1388  }
0x129: {  	vm1 =	vne.s32 v23, v24  }
0x12a: {  	vm0 =	vmand vm1, vm0  }
0x12b: {  	v23 =	vsel vm0, v23, v4  }
0x12c: {  	[tilespmem:$0x300] =	vst v23;
	v23 =	vld [tilespmem:$0x100]  }
0x12d: {  	v24 =	vld.idx.msk [tilespmem:v19+s3+$0x0], $0xffff;
	_ =	sdelay $0x3  }
0x12e: {  	v25 =	vsub.s32 v23, v2  }
0x12f: {  	vm0 =	vlt.u32 v25, $0x1388  }
0x130: {  	vm1 =	vne.s32 v23, v24  }
0x131: {  	vm0 =	vmand vm1, vm0  }
0x132: {  	v23 =	vsel vm0, v23, v4  }
0x133: {  	[tilespmem:$0x310] =	vst v23;
	v23 =	vld [tilespmem:$0x110]  }
0x134: {  	v24 =	vld.idx.msk [tilespmem:v20+s3+$0x0], $0xffff;
	_ =	sdelay $0x3  }
0x135: {  	v25 =	vsub.s32 v23, v2  }
0x136: {  	vm0 =	vlt.u32 v25, $0x1388  }
0x137: {  	vm1 =	vne.s32 v23, v24  }
0x138: {  	vm0 =	vmand vm1, vm0  }
0x139: {  	v23 =	vsel vm0, v23, v4  }
0x13a: {  	[tilespmem:$0x320] =	vst v23;
	v23 =	vld [tilespmem:$0x120]  }
0x13b: {  	v24 =	vld.idx.msk [tilespmem:v21+s3+$0x0], $0xffff;
	_ =	sdelay $0x3  }
0x13c: {  	v25 =	vsub.s32 v23, v2  }
0x13d: {  	vm0 =	vlt.u32 v25, $0x1388  }
0x13e: {  	vm1 =	vne.s32 v23, v24  }
0x13f: {  	vm0 =	vmand vm1, vm0  }
0x140: {  	v23 =	vsel vm0, v23, v4  }
0x141: {  	[tilespmem:$0x330] =	vst v23;
	v23 =	vld [tilespmem:$0x130]  }
0x142: {  	v24 =	vld.idx.msk [tilespmem:v22+s3+$0x0], $0xffff;
	_ =	sdelay $0x3  }
0x143: {  	v25 =	vsub.s32 v23, v2  }
0x144: {  	vm0 =	vlt.u32 v25, $0x1388  }
0x145: {  	vm1 =	vne.s32 v23, v24  }
0x146: {  	vm0 =	vmand vm1, vm0  }
0x147: {  	v23 =	vsel vm0, v23, v4  }
0x148: {  	[tilespmem:$0x340] =	vst v23  }
0x149: {  	[tilespmem:s10], [sflag:$0x2] =	stream.linear.gather [hbm4b:s13+s3], $0xA000, $0x38;
	[tilespmem:$0xA380] =	vst v63  }
0x14a: {  	_ =	swait.ge [sflag:s5], $0xA000  }
0x14b: {  	[sflag:s5] =	ssyncset.done $0x0  }
0x14c: {  	[sflag:s5] =	ssyncadd.s32 $0xFFFF6000  }
0x14d: {  	[bflag:$0x0] =	sbarrier.arrive $0xFFFF  }
0x14e: {  	[hbm4b:s11+s14] =	stream.indirect.scatter [tilespmem:s10], [sflag:$0x1], $0x80, s15, s14, $0xb8;
	[tilespmem:$0xA380] =	vst v63  }
0x14f: {  	_ = 	snop  }
0x150: {  	[hbm4b:s11+s14] =	stream.indirect.scatter [tilespmem:s17], [sflag:$0x1], $0x80, s16, s14, $0xb8;
	[tilespmem:$0xA380] =	vst v63  }
0x151: {  	_ = 	snop  }
0x152: {  	[hbm4b:s11+s14] =	stream.indirect.scatter [tilespmem:s19], [sflag:$0x1], $0x80, s18, s14, $0xb8;
	[tilespmem:$0xA380] =	vst v63  }
0x153: {  	_ = 	snop  }
0x154: {  	[hbm4b:s11+s14] =	stream.indirect.scatter [tilespmem:s22], [sflag:$0x1], $0x80, s21, s14, $0xb8;
	[tilespmem:$0xA380] =	vst v63  }
0x155: {  	_ =	swait.ge [sflag:s20], $0x2800  }
0x156: {  	[sflag:s20] =	ssyncset.done $0x0  }
0x157: {  	[sflag:s20] =	ssyncadd.s32 $0xFFFFD800  }
0x158: {  	_ =	swait.ge [sflag:s20], $0x2800  }
0x159: {  	[sflag:s20] =	ssyncset.done $0x0  }
.Ltmp1:
0x15a: {  	[sflag:s20] =	ssyncadd.s32 $0xFFFFD800;
	(pc) =	sbr.rel @p1 .LBB2_1-.Ltmp1, $4  }
0x15b: {  	_ =	swait.ge [sflag:s20], $0x2800  }
0x15c: {  	[sflag:s20] =	ssyncset.done $0x0  }
0x15d: {  	[sflag:s20] =	ssyncadd.s32 $0xFFFFD800  }
0x15e: {  	_ =	swait.ge [sflag:s20], $0x2800  }
.LBB2_2:
0x15f: {  	[sflag:s20] =	ssyncset.done $0x0  }
0x160: {  	[sflag:s20] =	ssyncadd.s32 $0xFFFFD800  }
0x161: {  	_ =	sfence.sel $0x180000  }
0x162: {  	[bflag:$0x0] =	sbarrier.arrive $0xFFFF  }
0x163: {  	p0 =	sne.s32 s0, $0x0;
	_ =	strace $0x90000047  }
0x164: {  	s0 =	sadd.s32 @!p0 $0x100000, s1;
	[bflag:$0x2] =	sbarrier.arrive $0xFFFF  }
0x165: {  	[sflag:s0] =	ssyncadd.tile.s32 @!p0 $0x1;
	_ =	shalt  }
.Lfunc_end2:
_tile_overlayer_lowered:
.L_overlay_start_2:
0x166: {  	(tag) =	ssettag $0x2  }
0x167: {  	s0 =	rddreg [dreg:$0x0];
	s2 =	stileid.u32  }
0x168: {  	s1 =	rddreg [dreg:$0x1];
	p0 =	sne.s32 s2, $0x0  }
0x169: {  	s3 =	rddreg [dreg:$0x2];
	[bflag:$0x3] =	sbarrier.arrive $0xFFFF;
	s2 =	simm.s32 @!p0 $0x1C02  }
0x16a: {  	[timem:s3], [sflag:s2] =	dma.local @!p0 [hbm:s0], s1  }
0x16b: {  	s0 =	simm.s32 @!p0 $0x2  }
0x16c: {  	_ =	swait.ge @!p0 [sflag:s0], s1  }
0x16d: {  	s1 =	ssub.s32 @!p0 $0x0, s1;
	[sflag:s0] =	ssyncset.done @!p0 $0x0  }
0x16e: {  	[sflag:s0] =	ssyncadd.s32 @!p0 s1  }
0x16f: {  	[bflag:$0x3] =	sbarrier.arrive $0xFFFF  }
0x170: {  	_ =	shalt  }

</sc_bundles>
